<compile_context>
chip_gen: v7x
topology: tpu7x:2x2x1
jax: 0.10.2.dev20260603
libtpu: 0.0.44.dev20260713+nightly
codegen_flags: <defaults>
</compile_context>

<pallas_src>
import functools

import jax
import jax.numpy as jnp
from jax import lax
from jax.experimental import pallas as pl
from jax.experimental.pallas import tpu as pltpu
from jax.experimental.pallas import tpu_sc as plsc

N_NODES = 10000
N_EDGES = 320000
D = 128

NUM_CORES = 2
NUM_SUBCORES = 16
NUM_WORKERS = NUM_CORES * NUM_SUBCORES
CHUNK = 128
CHUNKS = 78
LEFT_BASE = NUM_WORKERS * CHUNKS
U = 6
OUTER = 72 // U
NROWS = 3
IDXR = 6
ROWS_PER_TILE = 624
TAIL_ROWS = N_NODES - NUM_SUBCORES * ROWS_PER_TILE

ROW_BLOCK = 2000


def _matmul_body(x_ref, w_ref, b_ref, h_ref):
    h_ref[...] = (
        lax.dot_general(
            x_ref[...], w_ref[...],
            (((1,), (1,)), ((), ())),
            preferred_element_type=jnp.float32,
        )
        + b_ref[...]
    )


def _linear(x, W, b):
    grid = N_NODES // ROW_BLOCK
    return pl.pallas_call(
        _matmul_body,
        grid=(grid,),
        in_specs=[
            pl.BlockSpec((ROW_BLOCK, D), lambda i: (i, 0)),
            pl.BlockSpec((D, D), lambda i: (0, 0)),
            pl.BlockSpec((1, D), lambda i: (0, 0)),
        ],
        out_specs=pl.BlockSpec((ROW_BLOCK, D), lambda i: (i, 0)),
        out_shape=jax.ShapeDtypeStruct((N_NODES, D), jnp.float32),
    )(x, W, b.reshape(1, D))


def _combine_body(a_ref, b_ref, h_ref, o_ref):
    o_ref[...] = a_ref[0] + b_ref[0] - h_ref[...]


def _combine(partials, h):
    grid = N_NODES // ROW_BLOCK
    return pl.pallas_call(
        _combine_body,
        grid=(grid,),
        in_specs=[
            pl.BlockSpec((1, ROW_BLOCK, D), lambda i: (0, i, 0)),
            pl.BlockSpec((1, ROW_BLOCK, D), lambda i: (1, i, 0)),
            pl.BlockSpec((ROW_BLOCK, D), lambda i: (i, 0)),
        ],
        out_specs=pl.BlockSpec((ROW_BLOCK, D), lambda i: (i, 0)),
        out_shape=jax.ShapeDtypeStruct((N_NODES, D), jnp.float32),
    )(partials, partials, h)


def _scatter_body(h_hbm, ei_hbm, out_hbm, idx, rows, acc, isem, gsem, ssem):
    cid = lax.axis_index("c")
    sid = lax.axis_index("s")
    wid = sid * NUM_CORES + cid
    row_base = sid * ROWS_PER_TILE
    cbase = wid * CHUNKS

    def fire_idx(c, slot):
        pltpu.async_copy(
            ei_hbm.at[:, pl.ds((cbase + c) * CHUNK, CHUNK)],
            idx.at[slot], isem)

    def wait_idx():
        pltpu.make_async_copy(
            ei_hbm.at[:, pl.ds(0, CHUNK)], idx.at[0], isem).wait()

    def wait_gather(b):
        pltpu.make_async_copy(h_hbm.at[idx.at[0, 0]], rows[b], gsem).wait()

    def wait_scatter(b):
        pltpu.make_async_copy(rows[b], acc.at[idx.at[0, 1]], ssem).wait()

    for c in range(4):
        fire_idx(c, c)

    pltpu.sync_copy(h_hbm.at[pl.ds(row_base, ROWS_PER_TILE)],
                    acc.at[pl.ds(row_base, ROWS_PER_TILE)])

    @pl.when(sid == NUM_SUBCORES - 1)
    def _():
        pltpu.sync_copy(
            h_hbm.at[pl.ds(NUM_SUBCORES * ROWS_PER_TILE, TAIL_ROWS)],
            acc.at[pl.ds(NUM_SUBCORES * ROWS_PER_TILE, TAIL_ROWS)])

    wait_idx()
    pltpu.async_copy(h_hbm.at[idx.at[0, 0]], rows[0], gsem)

    plsc.subcore_barrier()

    def step(j, u, guard_lo, fire_i, fire_g):
        if guard_lo:
            @pl.when(j >= 2)
            def _():
                wait_scatter((u + 1) % NROWS)
        else:
            wait_scatter((u + 1) % NROWS)

        if fire_i:
            fire_idx(j + 4, (u + 4) % IDXR)

        if fire_g:
            wait_idx()
            pltpu.async_copy(h_hbm.at[idx.at[(u + 1) % IDXR, 0]],
                             rows[(u + 1) % NROWS], gsem)
        wait_gather(u % NROWS)
        pltpu.async_copy(rows[u % NROWS], acc.at[idx.at[u % IDXR, 1]],
                         ssem, add=True)

    def outer(jo, _):
        for u in range(U):
            step(jo * U + u, u, guard_lo=True, fire_i=True, fire_g=True)
        return 0

    lax.fori_loop(0, OUTER, outer, 0)

    step(72, 0, guard_lo=False, fire_i=True, fire_g=True)
    step(73, 1, guard_lo=False, fire_i=True, fire_g=True)
    step(74, 2, guard_lo=False, fire_i=False, fire_g=True)
    step(75, 3, guard_lo=False, fire_i=False, fire_g=True)
    step(76, 4, guard_lo=False, fire_i=False, fire_g=True)
    step(77, 5, guard_lo=False, fire_i=False, fire_g=False)

    for b in range(2):
        wait_scatter(b)

    @pl.when(wid < 2500 - LEFT_BASE)
    def _():
        pltpu.sync_copy(
            ei_hbm.at[:, pl.ds((LEFT_BASE + wid) * CHUNK, CHUNK)],
            idx.at[0])
        pltpu.async_copy(h_hbm.at[idx.at[0, 0]], rows[0], gsem).wait()
        pltpu.async_copy(rows[0], acc.at[idx.at[0, 1]], ssem, add=True)
        wait_scatter(0)

    plsc.subcore_barrier()

    pltpu.sync_copy(acc.at[pl.ds(row_base, ROWS_PER_TILE)],
                    out_hbm.at[cid, pl.ds(row_base, ROWS_PER_TILE)])

    @pl.when(sid == NUM_SUBCORES - 1)
    def _():
        pltpu.sync_copy(
            acc.at[pl.ds(NUM_SUBCORES * ROWS_PER_TILE, TAIL_ROWS)],
            out_hbm.at[cid, pl.ds(NUM_SUBCORES * ROWS_PER_TILE, TAIL_ROWS)])


@functools.partial(
    pl.kernel,
    out_type=jax.ShapeDtypeStruct((NUM_CORES, N_NODES, D), jnp.float32),
    mesh=plsc.VectorSubcoreMesh(
        core_axis_name="c", subcore_axis_name="s",
        num_cores=NUM_CORES, num_subcores=NUM_SUBCORES),
    scratch_types=[
        pltpu.VMEM((IDXR, 2, CHUNK), jnp.int32),
        [pltpu.VMEM((CHUNK, D), jnp.float32) for _ in range(NROWS)],
        pltpu.VMEM_SHARED((N_NODES, D), jnp.float32),
        pltpu.SemaphoreType.DMA,
        pltpu.SemaphoreType.DMA,
        pltpu.SemaphoreType.DMA,
    ],
)
def _scatter_add(h_hbm, ei_hbm, out_hbm, idx, rows, acc, isem, gsem, ssem):
    _scatter_body(h_hbm, ei_hbm, out_hbm, idx, rows, acc, isem, gsem, ssem)


def kernel(x, edge_index, W, b):
    h = _linear(x, W, b)
    partials = _scatter_add(h, edge_index.astype(jnp.int32))
    return _combine(partials, h)

# --- scband reference (transcript-rebuilt; emitter-appended) ---
"""Pipeline reference for scband-nasop-45792941310621 (READ-ONLY COPY).

The authoritative reference and input builder live on the scoring server;
editing this copy changes nothing except your own understanding.
"""

import jax, jax.numpy as jnp
import numpy as np

N_NODES = 10000
N_EDGES = 320000
D_IN = 128
D_OUT = 128


def setup_inputs(seed: int = 0) -> dict:
    key = jax.random.key(seed)
    k1, k2, k3, k4 = jax.random.split(key, 4)
    x = jax.random.normal(k1, (N_NODES, D_IN), dtype=jnp.float32)
    edge_index = jax.random.randint(k2, (2, N_EDGES), 0, N_NODES, dtype=jnp.int64)
    # Linear layer params (torch.nn.Linear(in_features, out_features)):
    # W: [out_features, in_features], b: [out_features]
    bound = 1.0 / np.sqrt(D_IN)
    W = jax.random.uniform(k3, (D_OUT, D_IN), minval=-bound, maxval=bound, dtype=jnp.float32)
    b = jax.random.uniform(k4, (D_OUT,), minval=-bound, maxval=bound, dtype=jnp.float32)
    return {"x": x, "edge_index": edge_index, "W": W, "b": b}


def reference(x, edge_index, W, b):
    # NASOP(attention='constant', aggregation='add'), config.DROPOUT == 0
    # ConstantConv.forward:
    #   edge_index, _ = add_self_loops(edge_index, num_nodes=N)
    #   x = linear(x)
    #   propagate(edge_index, x=x) with message = x_j, aggr='add'
    N = x.shape[0]
    loops = jnp.arange(N, dtype=edge_index.dtype)
    ei = jnp.concatenate([edge_index, jnp.stack([loops, loops], axis=0)], axis=1)
    h = x @ W.T + b
    src = ei[0]
    dst = ei[1]
    msgs = jnp.take(h, src, axis=0)  # gather: message x_j
    out = jax.ops.segment_sum(msgs, dst, num_segments=N)  # scatter-add aggregation
    return out

if __name__ == "__main__":
    import jax
    _d = setup_inputs()
    print(jax.jit(kernel)(*tuple(_d.values())))

</pallas_src>

<mosaic_0001>
#map = affine_map<(d0, d1) -> (0, 0)>
#map1 = affine_map<(d0, d1) -> (0, 0, 0)>
module attributes {stable_mosaic.version = 14 : i64} {
  func.func @_scatter_add(%arg0: i32, %arg1: i32, %arg2: memref<10000x128xf32, #tpu.memory_space<hbm>>, %arg3: memref<2x320000xi32, #tpu.memory_space<hbm>>, %arg4: memref<2x10000x128xf32, #tpu.memory_space<hbm>>, %arg5: memref<6x2x128xi32, #tpu.memory_space<vmem>>, %arg6: memref<128x128xf32, #tpu.memory_space<vmem>>, %arg7: memref<128x128xf32, #tpu.memory_space<vmem>>, %arg8: memref<128x128xf32, #tpu.memory_space<vmem>>, %arg9: memref<10000x128xf32, #tpu.memory_space<vmem_shared>>, %arg10: memref<!tpu.dma_semaphore, #tpu.memory_space<semaphore_mem>>, %arg11: memref<!tpu.dma_semaphore, #tpu.memory_space<semaphore_mem>>, %arg12: memref<!tpu.dma_semaphore, #tpu.memory_space<semaphore_mem>>) attributes {dimension_semantics = [#tpu.dimension_semantics<core_parallel>, #tpu.dimension_semantics<subcore_parallel>], iteration_bounds = array<i64: 2, 16>, scalar_prefetch = 0 : i64, scratch_operands = 8 : i64, tpu.core_type = #tpu.core_type<sc_vector_subcore>, window_params = [{transform_indices = #map}, {transform_indices = #map}, {transform_indices = #map1}]} {
    %mul3A = arith.constant 2 : i32
    %mul3A_0 = arith.muli %arg1, %mul3A : i32
    %add3A = arith.addi %mul3A_0, %arg0 : i32
    %mul3A_1 = arith.constant 624 : i32
    %mul3A_2 = arith.muli %arg1, %mul3A_1 : i32
    %mul3A_3 = arith.constant 78 : i32
    %mul3A_4 = arith.muli %add3A, %mul3A_3 : i32
    %add3A_5 = arith.constant 0 : i32
    %add3A_6 = arith.addi %mul3A_4, %add3A_5 : i32
    %mul3A_7 = arith.constant 128 : i32
    %mul3A_8 = arith.muli %add3A_6, %mul3A_7 : i32
    %dma_start3A = arith.constant 0 : i32
    %dma_start3A_9 = arith.constant 0 : i32
    %dma_start3A_10 = arith.constant 0 : i32
    %dma_start3A_11 = tpu.memref_slice %arg5[%dma_start3A, %dma_start3A_9, %dma_start3A_10] : memref<6x2x128xi32, #tpu.memory_space<vmem>> -> memref<1x2x128xi32, #tpu.memory_space<vmem>>
    %dma_start3A_12 = tpu.memref_squeeze %dma_start3A_11 : memref<1x2x128xi32, #tpu.memory_space<vmem>> -> memref<2x128xi32, #tpu.memory_space<vmem>>
    %dma_start3A_13 = arith.constant 0 : i32
    %dma_start3A_14 = tpu.memref_slice %arg3[%dma_start3A_13, %mul3A_8] : memref<2x320000xi32, #tpu.memory_space<hbm>> -> memref<2x128xi32, #tpu.memory_space<hbm>>
    %dma_start3A_15 = arith.constant 0 : i32
    %dma_start3A_16 = arith.constant 0 : i32
    %dma_start3A_17 = tpu.memref_slice %arg5[%dma_start3A, %dma_start3A_15, %dma_start3A_16] : memref<6x2x128xi32, #tpu.memory_space<vmem>> -> memref<1x2x128xi32, #tpu.memory_space<vmem>>
    %dma_start3A_18 = tpu.memref_squeeze %dma_start3A_17 : memref<1x2x128xi32, #tpu.memory_space<vmem>> -> memref<2x128xi32, #tpu.memory_space<vmem>>
    %dma_start3A_19 = arith.constant 0 : i32
    %dma_start3A_20 = tpu.memref_slice %arg3[%dma_start3A_19, %mul3A_8] : memref<2x320000xi32, #tpu.memory_space<hbm>> -> memref<2x128xi32, #tpu.memory_space<hbm>>
    tpu.enqueue_dma source(%dma_start3A_20 : memref<2x128xi32, #tpu.memory_space<hbm>>) target(%dma_start3A_18 : memref<2x128xi32, #tpu.memory_space<vmem>>) target_semaphore(%arg10 : memref<!tpu.dma_semaphore, #tpu.memory_space<semaphore_mem>>)
    %add3A_21 = arith.constant 1 : i32
    %add3A_22 = arith.addi %mul3A_4, %add3A_21 : i32
    %mul3A_23 = arith.constant 128 : i32
    %mul3A_24 = arith.muli %add3A_22, %mul3A_23 : i32
    %dma_start3A_25 = arith.constant 1 : i32
    %dma_start3A_26 = arith.constant 0 : i32
    %dma_start3A_27 = arith.constant 0 : i32
    %dma_start3A_28 = tpu.memref_slice %arg5[%dma_start3A_25, %dma_start3A_26, %dma_start3A_27] : memref<6x2x128xi32, #tpu.memory_space<vmem>> -> memref<1x2x128xi32, #tpu.memory_space<vmem>>
    %dma_start3A_29 = tpu.memref_squeeze %dma_start3A_28 : memref<1x2x128xi32, #tpu.memory_space<vmem>> -> memref<2x128xi32, #tpu.memory_space<vmem>>
    %dma_start3A_30 = arith.constant 0 : i32
    %dma_start3A_31 = tpu.memref_slice %arg3[%dma_start3A_30, %mul3A_24] : memref<2x320000xi32, #tpu.memory_space<hbm>> -> memref<2x128xi32, #tpu.memory_space<hbm>>
    %dma_start3A_32 = arith.constant 0 : i32
    %dma_start3A_33 = arith.constant 0 : i32
    %dma_start3A_34 = tpu.memref_slice %arg5[%dma_start3A_25, %dma_start3A_32, %dma_start3A_33] : memref<6x2x128xi32, #tpu.memory_space<vmem>> -> memref<1x2x128xi32, #tpu.memory_space<vmem>>
    %dma_start3A_35 = tpu.memref_squeeze %dma_start3A_34 : memref<1x2x128xi32, #tpu.memory_space<vmem>> -> memref<2x128xi32, #tpu.memory_space<vmem>>
    %dma_start3A_36 = arith.constant 0 : i32
    %dma_start3A_37 = tpu.memref_slice %arg3[%dma_start3A_36, %mul3A_24] : memref<2x320000xi32, #tpu.memory_space<hbm>> -> memref<2x128xi32, #tpu.memory_space<hbm>>
    tpu.enqueue_dma source(%dma_start3A_37 : memref<2x128xi32, #tpu.memory_space<hbm>>) target(%dma_start3A_35 : memref<2x128xi32, #tpu.memory_space<vmem>>) target_semaphore(%arg10 : memref<!tpu.dma_semaphore, #tpu.memory_space<semaphore_mem>>)
    %add3A_38 = arith.constant 2 : i32
    %add3A_39 = arith.addi %mul3A_4, %add3A_38 : i32
    %mul3A_40 = arith.constant 128 : i32
    %mul3A_41 = arith.muli %add3A_39, %mul3A_40 : i32
    %dma_start3A_42 = arith.constant 2 : i32
    %dma_start3A_43 = arith.constant 0 : i32
    %dma_start3A_44 = arith.constant 0 : i32
    %dma_start3A_45 = tpu.memref_slice %arg5[%dma_start3A_42, %dma_start3A_43, %dma_start3A_44] : memref<6x2x128xi32, #tpu.memory_space<vmem>> -> memref<1x2x128xi32, #tpu.memory_space<vmem>>
    %dma_start3A_46 = tpu.memref_squeeze %dma_start3A_45 : memref<1x2x128xi32, #tpu.memory_space<vmem>> -> memref<2x128xi32, #tpu.memory_space<vmem>>
    %dma_start3A_47 = arith.constant 0 : i32
    %dma_start3A_48 = tpu.memref_slice %arg3[%dma_start3A_47, %mul3A_41] : memref<2x320000xi32, #tpu.memory_space<hbm>> -> memref<2x128xi32, #tpu.memory_space<hbm>>
    %dma_start3A_49 = arith.constant 0 : i32
    %dma_start3A_50 = arith.constant 0 : i32
    %dma_start3A_51 = tpu.memref_slice %arg5[%dma_start3A_42, %dma_start3A_49, %dma_start3A_50] : memref<6x2x128xi32, #tpu.memory_space<vmem>> -> memref<1x2x128xi32, #tpu.memory_space<vmem>>
    %dma_start3A_52 = tpu.memref_squeeze %dma_start3A_51 : memref<1x2x128xi32, #tpu.memory_space<vmem>> -> memref<2x128xi32, #tpu.memory_space<vmem>>
    %dma_start3A_53 = arith.constant 0 : i32
    %dma_start3A_54 = tpu.memref_slice %arg3[%dma_start3A_53, %mul3A_41] : memref<2x320000xi32, #tpu.memory_space<hbm>> -> memref<2x128xi32, #tpu.memory_space<hbm>>
    tpu.enqueue_dma source(%dma_start3A_54 : memref<2x128xi32, #tpu.memory_space<hbm>>) target(%dma_start3A_52 : memref<2x128xi32, #tpu.memory_space<vmem>>) target_semaphore(%arg10 : memref<!tpu.dma_semaphore, #tpu.memory_space<semaphore_mem>>)
    %add3A_55 = arith.constant 3 : i32
    %add3A_56 = arith.addi %mul3A_4, %add3A_55 : i32
    %mul3A_57 = arith.constant 128 : i32
    %mul3A_58 = arith.muli %add3A_56, %mul3A_57 : i32
    %dma_start3A_59 = arith.constant 3 : i32
    %dma_start3A_60 = arith.constant 0 : i32
    %dma_start3A_61 = arith.constant 0 : i32
    %dma_start3A_62 = tpu.memref_slice %arg5[%dma_start3A_59, %dma_start3A_60, %dma_start3A_61] : memref<6x2x128xi32, #tpu.memory_space<vmem>> -> memref<1x2x128xi32, #tpu.memory_space<vmem>>
    %dma_start3A_63 = tpu.memref_squeeze %dma_start3A_62 : memref<1x2x128xi32, #tpu.memory_space<vmem>> -> memref<2x128xi32, #tpu.memory_space<vmem>>
    %dma_start3A_64 = arith.constant 0 : i32
    %dma_start3A_65 = tpu.memref_slice %arg3[%dma_start3A_64, %mul3A_58] : memref<2x320000xi32, #tpu.memory_space<hbm>> -> memref<2x128xi32, #tpu.memory_space<hbm>>
    %dma_start3A_66 = arith.constant 0 : i32
    %dma_start3A_67 = arith.constant 0 : i32
    %dma_start3A_68 = tpu.memref_slice %arg5[%dma_start3A_59, %dma_start3A_66, %dma_start3A_67] : memref<6x2x128xi32, #tpu.memory_space<vmem>> -> memref<1x2x128xi32, #tpu.memory_space<vmem>>
    %dma_start3A_69 = tpu.memref_squeeze %dma_start3A_68 : memref<1x2x128xi32, #tpu.memory_space<vmem>> -> memref<2x128xi32, #tpu.memory_space<vmem>>
    %dma_start3A_70 = arith.constant 0 : i32
    %dma_start3A_71 = tpu.memref_slice %arg3[%dma_start3A_70, %mul3A_58] : memref<2x320000xi32, #tpu.memory_space<hbm>> -> memref<2x128xi32, #tpu.memory_space<hbm>>
    tpu.enqueue_dma source(%dma_start3A_71 : memref<2x128xi32, #tpu.memory_space<hbm>>) target(%dma_start3A_69 : memref<2x128xi32, #tpu.memory_space<vmem>>) target_semaphore(%arg10 : memref<!tpu.dma_semaphore, #tpu.memory_space<semaphore_mem>>)
    "tpu.region"() ({
      %run_scoped3A = tpu.sem_alloc : memref<!tpu.dma_semaphore, #tpu.memory_space<semaphore_mem>>
      %dma_start3A_421 = arith.constant 0 : i32
      %dma_start3A_422 = tpu.memref_slice %arg9[%mul3A_2, %dma_start3A_421] : memref<10000x128xf32, #tpu.memory_space<vmem_shared>> -> memref<624x128xf32, #tpu.memory_space<vmem_shared>>
      %dma_start3A_423 = arith.constant 0 : i32
      %dma_start3A_424 = tpu.memref_slice %arg2[%mul3A_2, %dma_start3A_423] : memref<10000x128xf32, #tpu.memory_space<hbm>> -> memref<624x128xf32, #tpu.memory_space<hbm>>
      tpu.enqueue_dma source(%dma_start3A_424 : memref<624x128xf32, #tpu.memory_space<hbm>>) target(%dma_start3A_422 : memref<624x128xf32, #tpu.memory_space<vmem_shared>>) target_semaphore(%run_scoped3A : memref<!tpu.dma_semaphore, #tpu.memory_space<semaphore_mem>>)
      %dma_wait3A_425 = arith.constant 0 : i32
      %dma_wait3A_426 = tpu.memref_slice %arg9[%mul3A_2, %dma_wait3A_425] : memref<10000x128xf32, #tpu.memory_space<vmem_shared>> -> memref<624x128xf32, #tpu.memory_space<vmem_shared>>
      %dma_wait3A_427 = arith.constant 0 : i32
      %dma_wait3A_428 = tpu.memref_slice %arg2[%mul3A_2, %dma_wait3A_427] : memref<10000x128xf32, #tpu.memory_space<hbm>> -> memref<624x128xf32, #tpu.memory_space<hbm>>
      tpu.wait_dma2 semaphore(%run_scoped3A : memref<!tpu.dma_semaphore, #tpu.memory_space<semaphore_mem>>) src(%dma_wait3A_428 : memref<624x128xf32, #tpu.memory_space<hbm>>) dst(%dma_wait3A_426 : memref<624x128xf32, #tpu.memory_space<vmem_shared>>)
      tpu.yield
    }) : () -> ()
    %eq3A = arith.constant 15 : i32
    %eq3A_72 = arith.cmpi eq, %arg1, %eq3A : i32
    %convert_element_type3A = arith.extui %eq3A_72 : i1 to i32
    %cond3A = arith.constant 0 : i32
    %cond3A_73 = arith.cmpi ne, %convert_element_type3A, %cond3A : i32
    scf.if %cond3A_73 {
      "tpu.region"() ({
        %run_scoped3A = tpu.sem_alloc : memref<!tpu.dma_semaphore, #tpu.memory_space<semaphore_mem>>
        %dma_start3A_421 = arith.constant 9984 : i32
        %dma_start3A_422 = arith.constant 0 : i32
        %dma_start3A_423 = tpu.memref_slice %arg9[%dma_start3A_421, %dma_start3A_422] : memref<10000x128xf32, #tpu.memory_space<vmem_shared>> -> memref<16x128xf32, #tpu.memory_space<vmem_shared>>
        %dma_start3A_424 = arith.constant 9984 : i32
        %dma_start3A_425 = arith.constant 0 : i32
        %dma_start3A_426 = tpu.memref_slice %arg2[%dma_start3A_424, %dma_start3A_425] : memref<10000x128xf32, #tpu.memory_space<hbm>> -> memref<16x128xf32, #tpu.memory_space<hbm>>
        tpu.enqueue_dma source(%dma_start3A_426 : memref<16x128xf32, #tpu.memory_space<hbm>>) target(%dma_start3A_423 : memref<16x128xf32, #tpu.memory_space<vmem_shared>>) target_semaphore(%run_scoped3A : memref<!tpu.dma_semaphore, #tpu.memory_space<semaphore_mem>>)
        %dma_wait3A_427 = arith.constant 9984 : i32
        %dma_wait3A_428 = arith.constant 0 : i32
        %dma_wait3A_429 = tpu.memref_slice %arg9[%dma_wait3A_427, %dma_wait3A_428] : memref<10000x128xf32, #tpu.memory_space<vmem_shared>> -> memref<16x128xf32, #tpu.memory_space<vmem_shared>>
        %dma_wait3A_430 = arith.constant 9984 : i32
        %dma_wait3A_431 = arith.constant 0 : i32
        %dma_wait3A_432 = tpu.memref_slice %arg2[%dma_wait3A_430, %dma_wait3A_431] : memref<10000x128xf32, #tpu.memory_space<hbm>> -> memref<16x128xf32, #tpu.memory_space<hbm>>
        tpu.wait_dma2 semaphore(%run_scoped3A : memref<!tpu.dma_semaphore, #tpu.memory_space<semaphore_mem>>) src(%dma_wait3A_432 : memref<16x128xf32, #tpu.memory_space<hbm>>) dst(%dma_wait3A_429 : memref<16x128xf32, #tpu.memory_space<vmem_shared>>)
        tpu.yield
      }) : () -> ()
    } else {
    }
    %dma_wait3A = arith.constant 0 : i32
    %dma_wait3A_74 = arith.constant 0 : i32
    %dma_wait3A_75 = arith.constant 0 : i32
    %dma_wait3A_76 = tpu.memref_slice %arg5[%dma_wait3A, %dma_wait3A_74, %dma_wait3A_75] : memref<6x2x128xi32, #tpu.memory_space<vmem>> -> memref<1x2x128xi32, #tpu.memory_space<vmem>>
    %dma_wait3A_77 = tpu.memref_squeeze %dma_wait3A_76 : memref<1x2x128xi32, #tpu.memory_space<vmem>> -> memref<2x128xi32, #tpu.memory_space<vmem>>
    %dma_wait3A_78 = arith.constant 0 : i32
    %dma_wait3A_79 = arith.constant 0 : i32
    %dma_wait3A_80 = tpu.memref_slice %arg3[%dma_wait3A_78, %dma_wait3A_79] : memref<2x320000xi32, #tpu.memory_space<hbm>> -> memref<2x128xi32, #tpu.memory_space<hbm>>
    %dma_wait3A_81 = arith.constant 0 : i32
    %dma_wait3A_82 = arith.constant 0 : i32
    %dma_wait3A_83 = tpu.memref_slice %arg5[%dma_wait3A, %dma_wait3A_81, %dma_wait3A_82] : memref<6x2x128xi32, #tpu.memory_space<vmem>> -> memref<1x2x128xi32, #tpu.memory_space<vmem>>
    %dma_wait3A_84 = tpu.memref_squeeze %dma_wait3A_83 : memref<1x2x128xi32, #tpu.memory_space<vmem>> -> memref<2x128xi32, #tpu.memory_space<vmem>>
    %dma_wait3A_85 = arith.constant 0 : i32
    %dma_wait3A_86 = arith.constant 0 : i32
    %dma_wait3A_87 = tpu.memref_slice %arg3[%dma_wait3A_85, %dma_wait3A_86] : memref<2x320000xi32, #tpu.memory_space<hbm>> -> memref<2x128xi32, #tpu.memory_space<hbm>>
    tpu.wait_dma2 semaphore(%arg10 : memref<!tpu.dma_semaphore, #tpu.memory_space<semaphore_mem>>) src(%dma_wait3A_87 : memref<2x128xi32, #tpu.memory_space<hbm>>) dst(%dma_wait3A_84 : memref<2x128xi32, #tpu.memory_space<vmem>>)
    %dma_start3A_88 = arith.constant 0 : i32
    %dma_start3A_89 = arith.constant 0 : i32
    %dma_start3A_90 = arith.constant 0 : i32
    %dma_start3A_91 = tpu.memref_slice %arg5[%dma_start3A_88, %dma_start3A_89, %dma_start3A_90] : memref<6x2x128xi32, #tpu.memory_space<vmem>> -> memref<1x1x128xi32, #tpu.memory_space<vmem>>
    %dma_start3A_92 = tpu.memref_squeeze %dma_start3A_91 : memref<1x1x128xi32, #tpu.memory_space<vmem>> -> memref<128xi32, #tpu.memory_space<vmem>>
    %dma_start3A_93 = arith.constant 0 : i32
    %dma_start3A_94 = arith.constant 0 : i32
    %dma_start3A_95 = tpu.memref_slice %arg2[%dma_start3A_93, %dma_start3A_94] : memref<10000x128xf32, #tpu.memory_space<hbm>> -> memref<10000x128xf32, #tpu.memory_space<hbm>>
    tpu.enqueue_indirect_dma source(%dma_start3A_95 : memref<10000x128xf32, #tpu.memory_space<hbm>>) target(%arg6 : memref<128x128xf32, #tpu.memory_space<vmem>>) offsets(%dma_start3A_92 : memref<128xi32, #tpu.memory_space<vmem>>) semaphore(%arg11 : memref<!tpu.dma_semaphore, #tpu.memory_space<semaphore_mem>>)
    %barrier3A = arith.constant 0 : index
    tpu.barrier barrier_id(%barrier3A)
    %scan3A = arith.constant 0 : i32
    %scan3A_96 = arith.constant 0 : i32
    %scan3A_97 = arith.constant 12 : i32
    %scan3A_98 = arith.addi %scan3A_96, %scan3A_97 : i32
    %scan3A_99 = arith.constant 1 : i32
    %scan3A_100 = scf.for %scan3A_421 = %scan3A_96 to %scan3A_98 step %scan3A_99 iter_args(%scan3A_422 = %scan3A) -> (i32)  : i32 {
      %mul3A_423 = arith.constant 6 : i32
      %mul3A_424 = arith.muli %scan3A_421, %mul3A_423 : i32
      %add3A_425 = arith.constant 0 : i32
      %add3A_426 = arith.addi %mul3A_424, %add3A_425 : i32
      %ge3A = arith.constant 2 : i32
      %ge3A_427 = arith.cmpi sge, %add3A_426, %ge3A : i32
      %convert_element_type3A_428 = arith.extui %ge3A_427 : i1 to i32
      %cond3A_429 = arith.constant 0 : i32
      %cond3A_430 = arith.cmpi ne, %convert_element_type3A_428, %cond3A_429 : i32
      scf.if %cond3A_430 {
        %dma_wait3A_819 = arith.constant 0 : i32
        %dma_wait3A_820 = arith.constant 1 : i32
        %dma_wait3A_821 = arith.constant 0 : i32
        %dma_wait3A_822 = tpu.memref_slice %arg5[%dma_wait3A_819, %dma_wait3A_820, %dma_wait3A_821] : memref<6x2x128xi32, #tpu.memory_space<vmem>> -> memref<1x1x128xi32, #tpu.memory_space<vmem>>
        %dma_wait3A_823 = tpu.memref_squeeze %dma_wait3A_822 : memref<1x1x128xi32, #tpu.memory_space<vmem>> -> memref<128xi32, #tpu.memory_space<vmem>>
        %dma_wait3A_824 = arith.constant 0 : i32
        %dma_wait3A_825 = arith.constant 0 : i32
        %dma_wait3A_826 = tpu.memref_slice %arg9[%dma_wait3A_824, %dma_wait3A_825] : memref<10000x128xf32, #tpu.memory_space<vmem_shared>> -> memref<10000x128xf32, #tpu.memory_space<vmem_shared>>
        tpu.wait_indirect_dma semaphore(%arg12 : memref<!tpu.dma_semaphore, #tpu.memory_space<semaphore_mem>>) src(%arg7 : memref<128x128xf32, #tpu.memory_space<vmem>>) dst(%dma_wait3A_826 : memref<10000x128xf32, #tpu.memory_space<vmem_shared>>)
      } else {
      }
      %add3A_431 = arith.constant 4 : i32
      %add3A_432 = arith.addi %add3A_426, %add3A_431 : i32
      %add3A_433 = arith.addi %mul3A_4, %add3A_432 : i32
      %mul3A_434 = arith.constant 128 : i32
      %mul3A_435 = arith.muli %add3A_433, %mul3A_434 : i32
      %dma_start3A_436 = arith.constant 4 : i32
      %dma_start3A_437 = arith.constant 0 : i32
      %dma_start3A_438 = arith.constant 0 : i32
      %dma_start3A_439 = tpu.memref_slice %arg5[%dma_start3A_436, %dma_start3A_437, %dma_start3A_438] : memref<6x2x128xi32, #tpu.memory_space<vmem>> -> memref<1x2x128xi32, #tpu.memory_space<vmem>>
      %dma_start3A_440 = tpu.memref_squeeze %dma_start3A_439 : memref<1x2x128xi32, #tpu.memory_space<vmem>> -> memref<2x128xi32, #tpu.memory_space<vmem>>
      %dma_start3A_441 = arith.constant 0 : i32
      %dma_start3A_442 = tpu.memref_slice %arg3[%dma_start3A_441, %mul3A_435] : memref<2x320000xi32, #tpu.memory_space<hbm>> -> memref<2x128xi32, #tpu.memory_space<hbm>>
      %dma_start3A_443 = arith.constant 0 : i32
      %dma_start3A_444 = arith.constant 0 : i32
      %dma_start3A_445 = tpu.memref_slice %arg5[%dma_start3A_436, %dma_start3A_443, %dma_start3A_444] : memref<6x2x128xi32, #tpu.memory_space<vmem>> -> memref<1x2x128xi32, #tpu.memory_space<vmem>>
      %dma_start3A_446 = tpu.memref_squeeze %dma_start3A_445 : memref<1x2x128xi32, #tpu.memory_space<vmem>> -> memref<2x128xi32, #tpu.memory_space<vmem>>
      %dma_start3A_447 = arith.constant 0 : i32
      %dma_start3A_448 = tpu.memref_slice %arg3[%dma_start3A_447, %mul3A_435] : memref<2x320000xi32, #tpu.memory_space<hbm>> -> memref<2x128xi32, #tpu.memory_space<hbm>>
      tpu.enqueue_dma source(%dma_start3A_448 : memref<2x128xi32, #tpu.memory_space<hbm>>) target(%dma_start3A_446 : memref<2x128xi32, #tpu.memory_space<vmem>>) target_semaphore(%arg10 : memref<!tpu.dma_semaphore, #tpu.memory_space<semaphore_mem>>)
      %dma_wait3A_449 = arith.constant 0 : i32
      %dma_wait3A_450 = arith.constant 0 : i32
      %dma_wait3A_451 = arith.constant 0 : i32
      %dma_wait3A_452 = tpu.memref_slice %arg5[%dma_wait3A_449, %dma_wait3A_450, %dma_wait3A_451] : memref<6x2x128xi32, #tpu.memory_space<vmem>> -> memref<1x2x128xi32, #tpu.memory_space<vmem>>
      %dma_wait3A_453 = tpu.memref_squeeze %dma_wait3A_452 : memref<1x2x128xi32, #tpu.memory_space<vmem>> -> memref<2x128xi32, #tpu.memory_space<vmem>>
      %dma_wait3A_454 = arith.constant 0 : i32
      %dma_wait3A_455 = arith.constant 0 : i32
      %dma_wait3A_456 = tpu.memref_slice %arg3[%dma_wait3A_454, %dma_wait3A_455] : memref<2x320000xi32, #tpu.memory_space<hbm>> -> memref<2x128xi32, #tpu.memory_space<hbm>>
      %dma_wait3A_457 = arith.constant 0 : i32
      %dma_wait3A_458 = arith.constant 0 : i32
      %dma_wait3A_459 = tpu.memref_slice %arg5[%dma_wait3A_449, %dma_wait3A_457, %dma_wait3A_458] : memref<6x2x128xi32, #tpu.memory_space<vmem>> -> memref<1x2x128xi32, #tpu.memory_space<vmem>>
      %dma_wait3A_460 = tpu.memref_squeeze %dma_wait3A_459 : memref<1x2x128xi32, #tpu.memory_space<vmem>> -> memref<2x128xi32, #tpu.memory_space<vmem>>
      %dma_wait3A_461 = arith.constant 0 : i32
      %dma_wait3A_462 = arith.constant 0 : i32
      %dma_wait3A_463 = tpu.memref_slice %arg3[%dma_wait3A_461, %dma_wait3A_462] : memref<2x320000xi32, #tpu.memory_space<hbm>> -> memref<2x128xi32, #tpu.memory_space<hbm>>
      tpu.wait_dma2 semaphore(%arg10 : memref<!tpu.dma_semaphore, #tpu.memory_space<semaphore_mem>>) src(%dma_wait3A_463 : memref<2x128xi32, #tpu.memory_space<hbm>>) dst(%dma_wait3A_460 : memref<2x128xi32, #tpu.memory_space<vmem>>)
      %dma_start3A_464 = arith.constant 1 : i32
      %dma_start3A_465 = arith.constant 0 : i32
      %dma_start3A_466 = arith.constant 0 : i32
      %dma_start3A_467 = tpu.memref_slice %arg5[%dma_start3A_464, %dma_start3A_465, %dma_start3A_466] : memref<6x2x128xi32, #tpu.memory_space<vmem>> -> memref<1x1x128xi32, #tpu.memory_space<vmem>>
      %dma_start3A_468 = tpu.memref_squeeze %dma_start3A_467 : memref<1x1x128xi32, #tpu.memory_space<vmem>> -> memref<128xi32, #tpu.memory_space<vmem>>
      %dma_start3A_469 = arith.constant 0 : i32
      %dma_start3A_470 = arith.constant 0 : i32
      %dma_start3A_471 = tpu.memref_slice %arg2[%dma_start3A_469, %dma_start3A_470] : memref<10000x128xf32, #tpu.memory_space<hbm>> -> memref<10000x128xf32, #tpu.memory_space<hbm>>
      tpu.enqueue_indirect_dma source(%dma_start3A_471 : memref<10000x128xf32, #tpu.memory_space<hbm>>) target(%arg7 : memref<128x128xf32, #tpu.memory_space<vmem>>) offsets(%dma_start3A_468 : memref<128xi32, #tpu.memory_space<vmem>>) semaphore(%arg11 : memref<!tpu.dma_semaphore, #tpu.memory_space<semaphore_mem>>)
      %dma_wait3A_472 = arith.constant 0 : i32
      %dma_wait3A_473 = arith.constant 0 : i32
      %dma_wait3A_474 = arith.constant 0 : i32
      %dma_wait3A_475 = tpu.memref_slice %arg5[%dma_wait3A_472, %dma_wait3A_473, %dma_wait3A_474] : memref<6x2x128xi32, #tpu.memory_space<vmem>> -> memref<1x1x128xi32, #tpu.memory_space<vmem>>
      %dma_wait3A_476 = tpu.memref_squeeze %dma_wait3A_475 : memref<1x1x128xi32, #tpu.memory_space<vmem>> -> memref<128xi32, #tpu.memory_space<vmem>>
      %dma_wait3A_477 = arith.constant 0 : i32
      %dma_wait3A_478 = arith.constant 0 : i32
      %dma_wait3A_479 = tpu.memref_slice %arg2[%dma_wait3A_477, %dma_wait3A_478] : memref<10000x128xf32, #tpu.memory_space<hbm>> -> memref<10000x128xf32, #tpu.memory_space<hbm>>
      tpu.wait_indirect_dma semaphore(%arg11 : memref<!tpu.dma_semaphore, #tpu.memory_space<semaphore_mem>>) src(%dma_wait3A_479 : memref<10000x128xf32, #tpu.memory_space<hbm>>) dst(%arg6 : memref<128x128xf32, #tpu.memory_space<vmem>>)
      %dma_start3A_480 = arith.constant 0 : i32
      %dma_start3A_481 = arith.constant 1 : i32
      %dma_start3A_482 = arith.constant 0 : i32
      %dma_start3A_483 = tpu.memref_slice %arg5[%dma_start3A_480, %dma_start3A_481, %dma_start3A_482] : memref<6x2x128xi32, #tpu.memory_space<vmem>> -> memref<1x1x128xi32, #tpu.memory_space<vmem>>
      %dma_start3A_484 = tpu.memref_squeeze %dma_start3A_483 : memref<1x1x128xi32, #tpu.memory_space<vmem>> -> memref<128xi32, #tpu.memory_space<vmem>>
      %dma_start3A_485 = arith.constant 0 : i32
      %dma_start3A_486 = arith.constant 0 : i32
      %dma_start3A_487 = tpu.memref_slice %arg9[%dma_start3A_485, %dma_start3A_486] : memref<10000x128xf32, #tpu.memory_space<vmem_shared>> -> memref<10000x128xf32, #tpu.memory_space<vmem_shared>>
      tpu.enqueue_indirect_dma source(%arg6 : memref<128x128xf32, #tpu.memory_space<vmem>>) target(%dma_start3A_487 : memref<10000x128xf32, #tpu.memory_space<vmem_shared>>) offsets(%dma_start3A_484 : memref<128xi32, #tpu.memory_space<vmem>>) semaphore(%arg12 : memref<!tpu.dma_semaphore, #tpu.memory_space<semaphore_mem>>) {add = true}
      %mul3A_488 = arith.constant 6 : i32
      %mul3A_489 = arith.muli %scan3A_421, %mul3A_488 : i32
      %add3A_490 = arith.constant 1 : i32
      %add3A_491 = arith.addi %mul3A_489, %add3A_490 : i32
      %ge3A_492 = arith.constant 2 : i32
      %ge3A_493 = arith.cmpi sge, %add3A_491, %ge3A_492 : i32
      %convert_element_type3A_494 = arith.extui %ge3A_493 : i1 to i32
      %cond3A_495 = arith.constant 0 : i32
      %cond3A_496 = arith.cmpi ne, %convert_element_type3A_494, %cond3A_495 : i32
      scf.if %cond3A_496 {
        %dma_wait3A_819 = arith.constant 0 : i32
        %dma_wait3A_820 = arith.constant 1 : i32
        %dma_wait3A_821 = arith.constant 0 : i32
        %dma_wait3A_822 = tpu.memref_slice %arg5[%dma_wait3A_819, %dma_wait3A_820, %dma_wait3A_821] : memref<6x2x128xi32, #tpu.memory_space<vmem>> -> memref<1x1x128xi32, #tpu.memory_space<vmem>>
        %dma_wait3A_823 = tpu.memref_squeeze %dma_wait3A_822 : memref<1x1x128xi32, #tpu.memory_space<vmem>> -> memref<128xi32, #tpu.memory_space<vmem>>
        %dma_wait3A_824 = arith.constant 0 : i32
        %dma_wait3A_825 = arith.constant 0 : i32
        %dma_wait3A_826 = tpu.memref_slice %arg9[%dma_wait3A_824, %dma_wait3A_825] : memref<10000x128xf32, #tpu.memory_space<vmem_shared>> -> memref<10000x128xf32, #tpu.memory_space<vmem_shared>>
        tpu.wait_indirect_dma semaphore(%arg12 : memref<!tpu.dma_semaphore, #tpu.memory_space<semaphore_mem>>) src(%arg8 : memref<128x128xf32, #tpu.memory_space<vmem>>) dst(%dma_wait3A_826 : memref<10000x128xf32, #tpu.memory_space<vmem_shared>>)
      } else {
      }
      %add3A_497 = arith.constant 4 : i32
      %add3A_498 = arith.addi %add3A_491, %add3A_497 : i32
      %add3A_499 = arith.addi %mul3A_4, %add3A_498 : i32
      %mul3A_500 = arith.constant 128 : i32
      %mul3A_501 = arith.muli %add3A_499, %mul3A_500 : i32
      %dma_start3A_502 = arith.constant 5 : i32
      %dma_start3A_503 = arith.constant 0 : i32
      %dma_start3A_504 = arith.constant 0 : i32
      %dma_start3A_505 = tpu.memref_slice %arg5[%dma_start3A_502, %dma_start3A_503, %dma_start3A_504] : memref<6x2x128xi32, #tpu.memory_space<vmem>> -> memref<1x2x128xi32, #tpu.memory_space<vmem>>
      %dma_start3A_506 = tpu.memref_squeeze %dma_start3A_505 : memref<1x2x128xi32, #tpu.memory_space<vmem>> -> memref<2x128xi32, #tpu.memory_space<vmem>>
      %dma_start3A_507 = arith.constant 0 : i32
      %dma_start3A_508 = tpu.memref_slice %arg3[%dma_start3A_507, %mul3A_501] : memref<2x320000xi32, #tpu.memory_space<hbm>> -> memref<2x128xi32, #tpu.memory_space<hbm>>
      %dma_start3A_509 = arith.constant 0 : i32
      %dma_start3A_510 = arith.constant 0 : i32
      %dma_start3A_511 = tpu.memref_slice %arg5[%dma_start3A_502, %dma_start3A_509, %dma_start3A_510] : memref<6x2x128xi32, #tpu.memory_space<vmem>> -> memref<1x2x128xi32, #tpu.memory_space<vmem>>
      %dma_start3A_512 = tpu.memref_squeeze %dma_start3A_511 : memref<1x2x128xi32, #tpu.memory_space<vmem>> -> memref<2x128xi32, #tpu.memory_space<vmem>>
      %dma_start3A_513 = arith.constant 0 : i32
      %dma_start3A_514 = tpu.memref_slice %arg3[%dma_start3A_513, %mul3A_501] : memref<2x320000xi32, #tpu.memory_space<hbm>> -> memref<2x128xi32, #tpu.memory_space<hbm>>
      tpu.enqueue_dma source(%dma_start3A_514 : memref<2x128xi32, #tpu.memory_space<hbm>>) target(%dma_start3A_512 : memref<2x128xi32, #tpu.memory_space<vmem>>) target_semaphore(%arg10 : memref<!tpu.dma_semaphore, #tpu.memory_space<semaphore_mem>>)
      %dma_wait3A_515 = arith.constant 0 : i32
      %dma_wait3A_516 = arith.constant 0 : i32
      %dma_wait3A_517 = arith.constant 0 : i32
      %dma_wait3A_518 = tpu.memref_slice %arg5[%dma_wait3A_515, %dma_wait3A_516, %dma_wait3A_517] : memref<6x2x128xi32, #tpu.memory_space<vmem>> -> memref<1x2x128xi32, #tpu.memory_space<vmem>>
      %dma_wait3A_519 = tpu.memref_squeeze %dma_wait3A_518 : memref<1x2x128xi32, #tpu.memory_space<vmem>> -> memref<2x128xi32, #tpu.memory_space<vmem>>
      %dma_wait3A_520 = arith.constant 0 : i32
      %dma_wait3A_521 = arith.constant 0 : i32
      %dma_wait3A_522 = tpu.memref_slice %arg3[%dma_wait3A_520, %dma_wait3A_521] : memref<2x320000xi32, #tpu.memory_space<hbm>> -> memref<2x128xi32, #tpu.memory_space<hbm>>
      %dma_wait3A_523 = arith.constant 0 : i32
      %dma_wait3A_524 = arith.constant 0 : i32
      %dma_wait3A_525 = tpu.memref_slice %arg5[%dma_wait3A_515, %dma_wait3A_523, %dma_wait3A_524] : memref<6x2x128xi32, #tpu.memory_space<vmem>> -> memref<1x2x128xi32, #tpu.memory_space<vmem>>
      %dma_wait3A_526 = tpu.memref_squeeze %dma_wait3A_525 : memref<1x2x128xi32, #tpu.memory_space<vmem>> -> memref<2x128xi32, #tpu.memory_space<vmem>>
      %dma_wait3A_527 = arith.constant 0 : i32
      %dma_wait3A_528 = arith.constant 0 : i32
      %dma_wait3A_529 = tpu.memref_slice %arg3[%dma_wait3A_527, %dma_wait3A_528] : memref<2x320000xi32, #tpu.memory_space<hbm>> -> memref<2x128xi32, #tpu.memory_space<hbm>>
      tpu.wait_dma2 semaphore(%arg10 : memref<!tpu.dma_semaphore, #tpu.memory_space<semaphore_mem>>) src(%dma_wait3A_529 : memref<2x128xi32, #tpu.memory_space<hbm>>) dst(%dma_wait3A_526 : memref<2x128xi32, #tpu.memory_space<vmem>>)
      %dma_start3A_530 = arith.constant 2 : i32
      %dma_start3A_531 = arith.constant 0 : i32
      %dma_start3A_532 = arith.constant 0 : i32
      %dma_start3A_533 = tpu.memref_slice %arg5[%dma_start3A_530, %dma_start3A_531, %dma_start3A_532] : memref<6x2x128xi32, #tpu.memory_space<vmem>> -> memref<1x1x128xi32, #tpu.memory_space<vmem>>
      %dma_start3A_534 = tpu.memref_squeeze %dma_start3A_533 : memref<1x1x128xi32, #tpu.memory_space<vmem>> -> memref<128xi32, #tpu.memory_space<vmem>>
      %dma_start3A_535 = arith.constant 0 : i32
      %dma_start3A_536 = arith.constant 0 : i32
      %dma_start3A_537 = tpu.memref_slice %arg2[%dma_start3A_535, %dma_start3A_536] : memref<10000x128xf32, #tpu.memory_space<hbm>> -> memref<10000x128xf32, #tpu.memory_space<hbm>>
      tpu.enqueue_indirect_dma source(%dma_start3A_537 : memref<10000x128xf32, #tpu.memory_space<hbm>>) target(%arg8 : memref<128x128xf32, #tpu.memory_space<vmem>>) offsets(%dma_start3A_534 : memref<128xi32, #tpu.memory_space<vmem>>) semaphore(%arg11 : memref<!tpu.dma_semaphore, #tpu.memory_space<semaphore_mem>>)
      %dma_wait3A_538 = arith.constant 0 : i32
      %dma_wait3A_539 = arith.constant 0 : i32
      %dma_wait3A_540 = arith.constant 0 : i32
      %dma_wait3A_541 = tpu.memref_slice %arg5[%dma_wait3A_538, %dma_wait3A_539, %dma_wait3A_540] : memref<6x2x128xi32, #tpu.memory_space<vmem>> -> memref<1x1x128xi32, #tpu.memory_space<vmem>>
      %dma_wait3A_542 = tpu.memref_squeeze %dma_wait3A_541 : memref<1x1x128xi32, #tpu.memory_space<vmem>> -> memref<128xi32, #tpu.memory_space<vmem>>
      %dma_wait3A_543 = arith.constant 0 : i32
      %dma_wait3A_544 = arith.constant 0 : i32
      %dma_wait3A_545 = tpu.memref_slice %arg2[%dma_wait3A_543, %dma_wait3A_544] : memref<10000x128xf32, #tpu.memory_space<hbm>> -> memref<10000x128xf32, #tpu.memory_space<hbm>>
      tpu.wait_indirect_dma semaphore(%arg11 : memref<!tpu.dma_semaphore, #tpu.memory_space<semaphore_mem>>) src(%dma_wait3A_545 : memref<10000x128xf32, #tpu.memory_space<hbm>>) dst(%arg7 : memref<128x128xf32, #tpu.memory_space<vmem>>)
      %dma_start3A_546 = arith.constant 1 : i32
      %dma_start3A_547 = arith.constant 1 : i32
      %dma_start3A_548 = arith.constant 0 : i32
      %dma_start3A_549 = tpu.memref_slice %arg5[%dma_start3A_546, %dma_start3A_547, %dma_start3A_548] : memref<6x2x128xi32, #tpu.memory_space<vmem>> -> memref<1x1x128xi32, #tpu.memory_space<vmem>>
      %dma_start3A_550 = tpu.memref_squeeze %dma_start3A_549 : memref<1x1x128xi32, #tpu.memory_space<vmem>> -> memref<128xi32, #tpu.memory_space<vmem>>
      %dma_start3A_551 = arith.constant 0 : i32
      %dma_start3A_552 = arith.constant 0 : i32
      %dma_start3A_553 = tpu.memref_slice %arg9[%dma_start3A_551, %dma_start3A_552] : memref<10000x128xf32, #tpu.memory_space<vmem_shared>> -> memref<10000x128xf32, #tpu.memory_space<vmem_shared>>
      tpu.enqueue_indirect_dma source(%arg7 : memref<128x128xf32, #tpu.memory_space<vmem>>) target(%dma_start3A_553 : memref<10000x128xf32, #tpu.memory_space<vmem_shared>>) offsets(%dma_start3A_550 : memref<128xi32, #tpu.memory_space<vmem>>) semaphore(%arg12 : memref<!tpu.dma_semaphore, #tpu.memory_space<semaphore_mem>>) {add = true}
      %mul3A_554 = arith.constant 6 : i32
      %mul3A_555 = arith.muli %scan3A_421, %mul3A_554 : i32
      %add3A_556 = arith.constant 2 : i32
      %add3A_557 = arith.addi %mul3A_555, %add3A_556 : i32
      %ge3A_558 = arith.constant 2 : i32
      %ge3A_559 = arith.cmpi sge, %add3A_557, %ge3A_558 : i32
      %convert_element_type3A_560 = arith.extui %ge3A_559 : i1 to i32
      %cond3A_561 = arith.constant 0 : i32
      %cond3A_562 = arith.cmpi ne, %convert_element_type3A_560, %cond3A_561 : i32
      scf.if %cond3A_562 {
        %dma_wait3A_819 = arith.constant 0 : i32
        %dma_wait3A_820 = arith.constant 1 : i32
        %dma_wait3A_821 = arith.constant 0 : i32
        %dma_wait3A_822 = tpu.memref_slice %arg5[%dma_wait3A_819, %dma_wait3A_820, %dma_wait3A_821] : memref<6x2x128xi32, #tpu.memory_space<vmem>> -> memref<1x1x128xi32, #tpu.memory_space<vmem>>
        %dma_wait3A_823 = tpu.memref_squeeze %dma_wait3A_822 : memref<1x1x128xi32, #tpu.memory_space<vmem>> -> memref<128xi32, #tpu.memory_space<vmem>>
        %dma_wait3A_824 = arith.constant 0 : i32
        %dma_wait3A_825 = arith.constant 0 : i32
        %dma_wait3A_826 = tpu.memref_slice %arg9[%dma_wait3A_824, %dma_wait3A_825] : memref<10000x128xf32, #tpu.memory_space<vmem_shared>> -> memref<10000x128xf32, #tpu.memory_space<vmem_shared>>
        tpu.wait_indirect_dma semaphore(%arg12 : memref<!tpu.dma_semaphore, #tpu.memory_space<semaphore_mem>>) src(%arg6 : memref<128x128xf32, #tpu.memory_space<vmem>>) dst(%dma_wait3A_826 : memref<10000x128xf32, #tpu.memory_space<vmem_shared>>)
      } else {
      }
      %add3A_563 = arith.constant 4 : i32
      %add3A_564 = arith.addi %add3A_557, %add3A_563 : i32
      %add3A_565 = arith.addi %mul3A_4, %add3A_564 : i32
      %mul3A_566 = arith.constant 128 : i32
      %mul3A_567 = arith.muli %add3A_565, %mul3A_566 : i32
      %dma_start3A_568 = arith.constant 0 : i32
      %dma_start3A_569 = arith.constant 0 : i32
      %dma_start3A_570 = arith.constant 0 : i32
      %dma_start3A_571 = tpu.memref_slice %arg5[%dma_start3A_568, %dma_start3A_569, %dma_start3A_570] : memref<6x2x128xi32, #tpu.memory_space<vmem>> -> memref<1x2x128xi32, #tpu.memory_space<vmem>>
      %dma_start3A_572 = tpu.memref_squeeze %dma_start3A_571 : memref<1x2x128xi32, #tpu.memory_space<vmem>> -> memref<2x128xi32, #tpu.memory_space<vmem>>
      %dma_start3A_573 = arith.constant 0 : i32
      %dma_start3A_574 = tpu.memref_slice %arg3[%dma_start3A_573, %mul3A_567] : memref<2x320000xi32, #tpu.memory_space<hbm>> -> memref<2x128xi32, #tpu.memory_space<hbm>>
      %dma_start3A_575 = arith.constant 0 : i32
      %dma_start3A_576 = arith.constant 0 : i32
      %dma_start3A_577 = tpu.memref_slice %arg5[%dma_start3A_568, %dma_start3A_575, %dma_start3A_576] : memref<6x2x128xi32, #tpu.memory_space<vmem>> -> memref<1x2x128xi32, #tpu.memory_space<vmem>>
      %dma_start3A_578 = tpu.memref_squeeze %dma_start3A_577 : memref<1x2x128xi32, #tpu.memory_space<vmem>> -> memref<2x128xi32, #tpu.memory_space<vmem>>
      %dma_start3A_579 = arith.constant 0 : i32
      %dma_start3A_580 = tpu.memref_slice %arg3[%dma_start3A_579, %mul3A_567] : memref<2x320000xi32, #tpu.memory_space<hbm>> -> memref<2x128xi32, #tpu.memory_space<hbm>>
      tpu.enqueue_dma source(%dma_start3A_580 : memref<2x128xi32, #tpu.memory_space<hbm>>) target(%dma_start3A_578 : memref<2x128xi32, #tpu.memory_space<vmem>>) target_semaphore(%arg10 : memref<!tpu.dma_semaphore, #tpu.memory_space<semaphore_mem>>)
      %dma_wait3A_581 = arith.constant 0 : i32
      %dma_wait3A_582 = arith.constant 0 : i32
      %dma_wait3A_583 = arith.constant 0 : i32
      %dma_wait3A_584 = tpu.memref_slice %arg5[%dma_wait3A_581, %dma_wait3A_582, %dma_wait3A_583] : memref<6x2x128xi32, #tpu.memory_space<vmem>> -> memref<1x2x128xi32, #tpu.memory_space<vmem>>
      %dma_wait3A_585 = tpu.memref_squeeze %dma_wait3A_584 : memref<1x2x128xi32, #tpu.memory_space<vmem>> -> memref<2x128xi32, #tpu.memory_space<vmem>>
      %dma_wait3A_586 = arith.constant 0 : i32
      %dma_wait3A_587 = arith.constant 0 : i32
      %dma_wait3A_588 = tpu.memref_slice %arg3[%dma_wait3A_586, %dma_wait3A_587] : memref<2x320000xi32, #tpu.memory_space<hbm>> -> memref<2x128xi32, #tpu.memory_space<hbm>>
      %dma_wait3A_589 = arith.constant 0 : i32
      %dma_wait3A_590 = arith.constant 0 : i32
      %dma_wait3A_591 = tpu.memref_slice %arg5[%dma_wait3A_581, %dma_wait3A_589, %dma_wait3A_590] : memref<6x2x128xi32, #tpu.memory_space<vmem>> -> memref<1x2x128xi32, #tpu.memory_space<vmem>>
      %dma_wait3A_592 = tpu.memref_squeeze %dma_wait3A_591 : memref<1x2x128xi32, #tpu.memory_space<vmem>> -> memref<2x128xi32, #tpu.memory_space<vmem>>
      %dma_wait3A_593 = arith.constant 0 : i32
      %dma_wait3A_594 = arith.constant 0 : i32
      %dma_wait3A_595 = tpu.memref_slice %arg3[%dma_wait3A_593, %dma_wait3A_594] : memref<2x320000xi32, #tpu.memory_space<hbm>> -> memref<2x128xi32, #tpu.memory_space<hbm>>
      tpu.wait_dma2 semaphore(%arg10 : memref<!tpu.dma_semaphore, #tpu.memory_space<semaphore_mem>>) src(%dma_wait3A_595 : memref<2x128xi32, #tpu.memory_space<hbm>>) dst(%dma_wait3A_592 : memref<2x128xi32, #tpu.memory_space<vmem>>)
      %dma_start3A_596 = arith.constant 3 : i32
      %dma_start3A_597 = arith.constant 0 : i32
      %dma_start3A_598 = arith.constant 0 : i32
      %dma_start3A_599 = tpu.memref_slice %arg5[%dma_start3A_596, %dma_start3A_597, %dma_start3A_598] : memref<6x2x128xi32, #tpu.memory_space<vmem>> -> memref<1x1x128xi32, #tpu.memory_space<vmem>>
      %dma_start3A_600 = tpu.memref_squeeze %dma_start3A_599 : memref<1x1x128xi32, #tpu.memory_space<vmem>> -> memref<128xi32, #tpu.memory_space<vmem>>
      %dma_start3A_601 = arith.constant 0 : i32
      %dma_start3A_602 = arith.constant 0 : i32
      %dma_start3A_603 = tpu.memref_slice %arg2[%dma_start3A_601, %dma_start3A_602] : memref<10000x128xf32, #tpu.memory_space<hbm>> -> memref<10000x128xf32, #tpu.memory_space<hbm>>
      tpu.enqueue_indirect_dma source(%dma_start3A_603 : memref<10000x128xf32, #tpu.memory_space<hbm>>) target(%arg6 : memref<128x128xf32, #tpu.memory_space<vmem>>) offsets(%dma_start3A_600 : memref<128xi32, #tpu.memory_space<vmem>>) semaphore(%arg11 : memref<!tpu.dma_semaphore, #tpu.memory_space<semaphore_mem>>)
      %dma_wait3A_604 = arith.constant 0 : i32
      %dma_wait3A_605 = arith.constant 0 : i32
      %dma_wait3A_606 = arith.constant 0 : i32
      %dma_wait3A_607 = tpu.memref_slice %arg5[%dma_wait3A_604, %dma_wait3A_605, %dma_wait3A_606] : memref<6x2x128xi32, #tpu.memory_space<vmem>> -> memref<1x1x128xi32, #tpu.memory_space<vmem>>
      %dma_wait3A_608 = tpu.memref_squeeze %dma_wait3A_607 : memref<1x1x128xi32, #tpu.memory_space<vmem>> -> memref<128xi32, #tpu.memory_space<vmem>>
      %dma_wait3A_609 = arith.constant 0 : i32
      %dma_wait3A_610 = arith.constant 0 : i32
      %dma_wait3A_611 = tpu.memref_slice %arg2[%dma_wait3A_609, %dma_wait3A_610] : memref<10000x128xf32, #tpu.memory_space<hbm>> -> memref<10000x128xf32, #tpu.memory_space<hbm>>
      tpu.wait_indirect_dma semaphore(%arg11 : memref<!tpu.dma_semaphore, #tpu.memory_space<semaphore_mem>>) src(%dma_wait3A_611 : memref<10000x128xf32, #tpu.memory_space<hbm>>) dst(%arg8 : memref<128x128xf32, #tpu.memory_space<vmem>>)
      %dma_start3A_612 = arith.constant 2 : i32
      %dma_start3A_613 = arith.constant 1 : i32
      %dma_start3A_614 = arith.constant 0 : i32
      %dma_start3A_615 = tpu.memref_slice %arg5[%dma_start3A_612, %dma_start3A_613, %dma_start3A_614] : memref<6x2x128xi32, #tpu.memory_space<vmem>> -> memref<1x1x128xi32, #tpu.memory_space<vmem>>
      %dma_start3A_616 = tpu.memref_squeeze %dma_start3A_615 : memref<1x1x128xi32, #tpu.memory_space<vmem>> -> memref<128xi32, #tpu.memory_space<vmem>>
      %dma_start3A_617 = arith.constant 0 : i32
      %dma_start3A_618 = arith.constant 0 : i32
      %dma_start3A_619 = tpu.memref_slice %arg9[%dma_start3A_617, %dma_start3A_618] : memref<10000x128xf32, #tpu.memory_space<vmem_shared>> -> memref<10000x128xf32, #tpu.memory_space<vmem_shared>>
      tpu.enqueue_indirect_dma source(%arg8 : memref<128x128xf32, #tpu.memory_space<vmem>>) target(%dma_start3A_619 : memref<10000x128xf32, #tpu.memory_space<vmem_shared>>) offsets(%dma_start3A_616 : memref<128xi32, #tpu.memory_space<vmem>>) semaphore(%arg12 : memref<!tpu.dma_semaphore, #tpu.memory_space<semaphore_mem>>) {add = true}
      %mul3A_620 = arith.constant 6 : i32
      %mul3A_621 = arith.muli %scan3A_421, %mul3A_620 : i32
      %add3A_622 = arith.constant 3 : i32
      %add3A_623 = arith.addi %mul3A_621, %add3A_622 : i32
      %ge3A_624 = arith.constant 2 : i32
      %ge3A_625 = arith.cmpi sge, %add3A_623, %ge3A_624 : i32
      %convert_element_type3A_626 = arith.extui %ge3A_625 : i1 to i32
      %cond3A_627 = arith.constant 0 : i32
      %cond3A_628 = arith.cmpi ne, %convert_element_type3A_626, %cond3A_627 : i32
      scf.if %cond3A_628 {
        %dma_wait3A_819 = arith.constant 0 : i32
        %dma_wait3A_820 = arith.constant 1 : i32
        %dma_wait3A_821 = arith.constant 0 : i32
        %dma_wait3A_822 = tpu.memref_slice %arg5[%dma_wait3A_819, %dma_wait3A_820, %dma_wait3A_821] : memref<6x2x128xi32, #tpu.memory_space<vmem>> -> memref<1x1x128xi32, #tpu.memory_space<vmem>>
        %dma_wait3A_823 = tpu.memref_squeeze %dma_wait3A_822 : memref<1x1x128xi32, #tpu.memory_space<vmem>> -> memref<128xi32, #tpu.memory_space<vmem>>
        %dma_wait3A_824 = arith.constant 0 : i32
        %dma_wait3A_825 = arith.constant 0 : i32
        %dma_wait3A_826 = tpu.memref_slice %arg9[%dma_wait3A_824, %dma_wait3A_825] : memref<10000x128xf32, #tpu.memory_space<vmem_shared>> -> memref<10000x128xf32, #tpu.memory_space<vmem_shared>>
        tpu.wait_indirect_dma semaphore(%arg12 : memref<!tpu.dma_semaphore, #tpu.memory_space<semaphore_mem>>) src(%arg7 : memref<128x128xf32, #tpu.memory_space<vmem>>) dst(%dma_wait3A_826 : memref<10000x128xf32, #tpu.memory_space<vmem_shared>>)
      } else {
      }
      %add3A_629 = arith.constant 4 : i32
      %add3A_630 = arith.addi %add3A_623, %add3A_629 : i32
      %add3A_631 = arith.addi %mul3A_4, %add3A_630 : i32
      %mul3A_632 = arith.constant 128 : i32
      %mul3A_633 = arith.muli %add3A_631, %mul3A_632 : i32
      %dma_start3A_634 = arith.constant 1 : i32
      %dma_start3A_635 = arith.constant 0 : i32
      %dma_start3A_636 = arith.constant 0 : i32
      %dma_start3A_637 = tpu.memref_slice %arg5[%dma_start3A_634, %dma_start3A_635, %dma_start3A_636] : memref<6x2x128xi32, #tpu.memory_space<vmem>> -> memref<1x2x128xi32, #tpu.memory_space<vmem>>
      %dma_start3A_638 = tpu.memref_squeeze %dma_start3A_637 : memref<1x2x128xi32, #tpu.memory_space<vmem>> -> memref<2x128xi32, #tpu.memory_space<vmem>>
      %dma_start3A_639 = arith.constant 0 : i32
      %dma_start3A_640 = tpu.memref_slice %arg3[%dma_start3A_639, %mul3A_633] : memref<2x320000xi32, #tpu.memory_space<hbm>> -> memref<2x128xi32, #tpu.memory_space<hbm>>
      %dma_start3A_641 = arith.constant 0 : i32
      %dma_start3A_642 = arith.constant 0 : i32
      %dma_start3A_643 = tpu.memref_slice %arg5[%dma_start3A_634, %dma_start3A_641, %dma_start3A_642] : memref<6x2x128xi32, #tpu.memory_space<vmem>> -> memref<1x2x128xi32, #tpu.memory_space<vmem>>
      %dma_start3A_644 = tpu.memref_squeeze %dma_start3A_643 : memref<1x2x128xi32, #tpu.memory_space<vmem>> -> memref<2x128xi32, #tpu.memory_space<vmem>>
      %dma_start3A_645 = arith.constant 0 : i32
      %dma_start3A_646 = tpu.memref_slice %arg3[%dma_start3A_645, %mul3A_633] : memref<2x320000xi32, #tpu.memory_space<hbm>> -> memref<2x128xi32, #tpu.memory_space<hbm>>
      tpu.enqueue_dma source(%dma_start3A_646 : memref<2x128xi32, #tpu.memory_space<hbm>>) target(%dma_start3A_644 : memref<2x128xi32, #tpu.memory_space<vmem>>) target_semaphore(%arg10 : memref<!tpu.dma_semaphore, #tpu.memory_space<semaphore_mem>>)
      %dma_wait3A_647 = arith.constant 0 : i32
      %dma_wait3A_648 = arith.constant 0 : i32
      %dma_wait3A_649 = arith.constant 0 : i32
      %dma_wait3A_650 = tpu.memref_slice %arg5[%dma_wait3A_647, %dma_wait3A_648, %dma_wait3A_649] : memref<6x2x128xi32, #tpu.memory_space<vmem>> -> memref<1x2x128xi32, #tpu.memory_space<vmem>>
      %dma_wait3A_651 = tpu.memref_squeeze %dma_wait3A_650 : memref<1x2x128xi32, #tpu.memory_space<vmem>> -> memref<2x128xi32, #tpu.memory_space<vmem>>
      %dma_wait3A_652 = arith.constant 0 : i32
      %dma_wait3A_653 = arith.constant 0 : i32
      %dma_wait3A_654 = tpu.memref_slice %arg3[%dma_wait3A_652, %dma_wait3A_653] : memref<2x320000xi32, #tpu.memory_space<hbm>> -> memref<2x128xi32, #tpu.memory_space<hbm>>
      %dma_wait3A_655 = arith.constant 0 : i32
      %dma_wait3A_656 = arith.constant 0 : i32
      %dma_wait3A_657 = tpu.memref_slice %arg5[%dma_wait3A_647, %dma_wait3A_655, %dma_wait3A_656] : memref<6x2x128xi32, #tpu.memory_space<vmem>> -> memref<1x2x128xi32, #tpu.memory_space<vmem>>
      %dma_wait3A_658 = tpu.memref_squeeze %dma_wait3A_657 : memref<1x2x128xi32, #tpu.memory_space<vmem>> -> memref<2x128xi32, #tpu.memory_space<vmem>>
      %dma_wait3A_659 = arith.constant 0 : i32
      %dma_wait3A_660 = arith.constant 0 : i32
      %dma_wait3A_661 = tpu.memref_slice %arg3[%dma_wait3A_659, %dma_wait3A_660] : memref<2x320000xi32, #tpu.memory_space<hbm>> -> memref<2x128xi32, #tpu.memory_space<hbm>>
      tpu.wait_dma2 semaphore(%arg10 : memref<!tpu.dma_semaphore, #tpu.memory_space<semaphore_mem>>) src(%dma_wait3A_661 : memref<2x128xi32, #tpu.memory_space<hbm>>) dst(%dma_wait3A_658 : memref<2x128xi32, #tpu.memory_space<vmem>>)
      %dma_start3A_662 = arith.constant 4 : i32
      %dma_start3A_663 = arith.constant 0 : i32
      %dma_start3A_664 = arith.constant 0 : i32
      %dma_start3A_665 = tpu.memref_slice %arg5[%dma_start3A_662, %dma_start3A_663, %dma_start3A_664] : memref<6x2x128xi32, #tpu.memory_space<vmem>> -> memref<1x1x128xi32, #tpu.memory_space<vmem>>
      %dma_start3A_666 = tpu.memref_squeeze %dma_start3A_665 : memref<1x1x128xi32, #tpu.memory_space<vmem>> -> memref<128xi32, #tpu.memory_space<vmem>>
      %dma_start3A_667 = arith.constant 0 : i32
      %dma_start3A_668 = arith.constant 0 : i32
      %dma_start3A_669 = tpu.memref_slice %arg2[%dma_start3A_667, %dma_start3A_668] : memref<10000x128xf32, #tpu.memory_space<hbm>> -> memref<10000x128xf32, #tpu.memory_space<hbm>>
      tpu.enqueue_indirect_dma source(%dma_start3A_669 : memref<10000x128xf32, #tpu.memory_space<hbm>>) target(%arg7 : memref<128x128xf32, #tpu.memory_space<vmem>>) offsets(%dma_start3A_666 : memref<128xi32, #tpu.memory_space<vmem>>) semaphore(%arg11 : memref<!tpu.dma_semaphore, #tpu.memory_space<semaphore_mem>>)
      %dma_wait3A_670 = arith.constant 0 : i32
      %dma_wait3A_671 = arith.constant 0 : i32
      %dma_wait3A_672 = arith.constant 0 : i32
      %dma_wait3A_673 = tpu.memref_slice %arg5[%dma_wait3A_670, %dma_wait3A_671, %dma_wait3A_672] : memref<6x2x128xi32, #tpu.memory_space<vmem>> -> memref<1x1x128xi32, #tpu.memory_space<vmem>>
      %dma_wait3A_674 = tpu.memref_squeeze %dma_wait3A_673 : memref<1x1x128xi32, #tpu.memory_space<vmem>> -> memref<128xi32, #tpu.memory_space<vmem>>
      %dma_wait3A_675 = arith.constant 0 : i32
      %dma_wait3A_676 = arith.constant 0 : i32
      %dma_wait3A_677 = tpu.memref_slice %arg2[%dma_wait3A_675, %dma_wait3A_676] : memref<10000x128xf32, #tpu.memory_space<hbm>> -> memref<10000x128xf32, #tpu.memory_space<hbm>>
      tpu.wait_indirect_dma semaphore(%arg11 : memref<!tpu.dma_semaphore, #tpu.memory_space<semaphore_mem>>) src(%dma_wait3A_677 : memref<10000x128xf32, #tpu.memory_space<hbm>>) dst(%arg6 : memref<128x128xf32, #tpu.memory_space<vmem>>)
      %dma_start3A_678 = arith.constant 3 : i32
      %dma_start3A_679 = arith.constant 1 : i32
      %dma_start3A_680 = arith.constant 0 : i32
      %dma_start3A_681 = tpu.memref_slice %arg5[%dma_start3A_678, %dma_start3A_679, %dma_start3A_680] : memref<6x2x128xi32, #tpu.memory_space<vmem>> -> memref<1x1x128xi32, #tpu.memory_space<vmem>>
      %dma_start3A_682 = tpu.memref_squeeze %dma_start3A_681 : memref<1x1x128xi32, #tpu.memory_space<vmem>> -> memref<128xi32, #tpu.memory_space<vmem>>
      %dma_start3A_683 = arith.constant 0 : i32
      %dma_start3A_684 = arith.constant 0 : i32
      %dma_start3A_685 = tpu.memref_slice %arg9[%dma_start3A_683, %dma_start3A_684] : memref<10000x128xf32, #tpu.memory_space<vmem_shared>> -> memref<10000x128xf32, #tpu.memory_space<vmem_shared>>
      tpu.enqueue_indirect_dma source(%arg6 : memref<128x128xf32, #tpu.memory_space<vmem>>) target(%dma_start3A_685 : memref<10000x128xf32, #tpu.memory_space<vmem_shared>>) offsets(%dma_start3A_682 : memref<128xi32, #tpu.memory_space<vmem>>) semaphore(%arg12 : memref<!tpu.dma_semaphore, #tpu.memory_space<semaphore_mem>>) {add = true}
      %mul3A_686 = arith.constant 6 : i32
      %mul3A_687 = arith.muli %scan3A_421, %mul3A_686 : i32
      %add3A_688 = arith.constant 4 : i32
      %add3A_689 = arith.addi %mul3A_687, %add3A_688 : i32
      %ge3A_690 = arith.constant 2 : i32
      %ge3A_691 = arith.cmpi sge, %add3A_689, %ge3A_690 : i32
      %convert_element_type3A_692 = arith.extui %ge3A_691 : i1 to i32
      %cond3A_693 = arith.constant 0 : i32
      %cond3A_694 = arith.cmpi ne, %convert_element_type3A_692, %cond3A_693 : i32
      scf.if %cond3A_694 {
        %dma_wait3A_819 = arith.constant 0 : i32
        %dma_wait3A_820 = arith.constant 1 : i32
        %dma_wait3A_821 = arith.constant 0 : i32
        %dma_wait3A_822 = tpu.memref_slice %arg5[%dma_wait3A_819, %dma_wait3A_820, %dma_wait3A_821] : memref<6x2x128xi32, #tpu.memory_space<vmem>> -> memref<1x1x128xi32, #tpu.memory_space<vmem>>
        %dma_wait3A_823 = tpu.memref_squeeze %dma_wait3A_822 : memref<1x1x128xi32, #tpu.memory_space<vmem>> -> memref<128xi32, #tpu.memory_space<vmem>>
        %dma_wait3A_824 = arith.constant 0 : i32
        %dma_wait3A_825 = arith.constant 0 : i32
        %dma_wait3A_826 = tpu.memref_slice %arg9[%dma_wait3A_824, %dma_wait3A_825] : memref<10000x128xf32, #tpu.memory_space<vmem_shared>> -> memref<10000x128xf32, #tpu.memory_space<vmem_shared>>
        tpu.wait_indirect_dma semaphore(%arg12 : memref<!tpu.dma_semaphore, #tpu.memory_space<semaphore_mem>>) src(%arg8 : memref<128x128xf32, #tpu.memory_space<vmem>>) dst(%dma_wait3A_826 : memref<10000x128xf32, #tpu.memory_space<vmem_shared>>)
      } else {
      }
      %add3A_695 = arith.constant 4 : i32
      %add3A_696 = arith.addi %add3A_689, %add3A_695 : i32
      %add3A_697 = arith.addi %mul3A_4, %add3A_696 : i32
      %mul3A_698 = arith.constant 128 : i32
      %mul3A_699 = arith.muli %add3A_697, %mul3A_698 : i32
      %dma_start3A_700 = arith.constant 2 : i32
      %dma_start3A_701 = arith.constant 0 : i32
      %dma_start3A_702 = arith.constant 0 : i32
      %dma_start3A_703 = tpu.memref_slice %arg5[%dma_start3A_700, %dma_start3A_701, %dma_start3A_702] : memref<6x2x128xi32, #tpu.memory_space<vmem>> -> memref<1x2x128xi32, #tpu.memory_space<vmem>>
      %dma_start3A_704 = tpu.memref_squeeze %dma_start3A_703 : memref<1x2x128xi32, #tpu.memory_space<vmem>> -> memref<2x128xi32, #tpu.memory_space<vmem>>
      %dma_start3A_705 = arith.constant 0 : i32
      %dma_start3A_706 = tpu.memref_slice %arg3[%dma_start3A_705, %mul3A_699] : memref<2x320000xi32, #tpu.memory_space<hbm>> -> memref<2x128xi32, #tpu.memory_space<hbm>>
      %dma_start3A_707 = arith.constant 0 : i32
      %dma_start3A_708 = arith.constant 0 : i32
      %dma_start3A_709 = tpu.memref_slice %arg5[%dma_start3A_700, %dma_start3A_707, %dma_start3A_708] : memref<6x2x128xi32, #tpu.memory_space<vmem>> -> memref<1x2x128xi32, #tpu.memory_space<vmem>>
      %dma_start3A_710 = tpu.memref_squeeze %dma_start3A_709 : memref<1x2x128xi32, #tpu.memory_space<vmem>> -> memref<2x128xi32, #tpu.memory_space<vmem>>
      %dma_start3A_711 = arith.constant 0 : i32
      %dma_start3A_712 = tpu.memref_slice %arg3[%dma_start3A_711, %mul3A_699] : memref<2x320000xi32, #tpu.memory_space<hbm>> -> memref<2x128xi32, #tpu.memory_space<hbm>>
      tpu.enqueue_dma source(%dma_start3A_712 : memref<2x128xi32, #tpu.memory_space<hbm>>) target(%dma_start3A_710 : memref<2x128xi32, #tpu.memory_space<vmem>>) target_semaphore(%arg10 : memref<!tpu.dma_semaphore, #tpu.memory_space<semaphore_mem>>)
      %dma_wait3A_713 = arith.constant 0 : i32
      %dma_wait3A_714 = arith.constant 0 : i32
      %dma_wait3A_715 = arith.constant 0 : i32
      %dma_wait3A_716 = tpu.memref_slice %arg5[%dma_wait3A_713, %dma_wait3A_714, %dma_wait3A_715] : memref<6x2x128xi32, #tpu.memory_space<vmem>> -> memref<1x2x128xi32, #tpu.memory_space<vmem>>
      %dma_wait3A_717 = tpu.memref_squeeze %dma_wait3A_716 : memref<1x2x128xi32, #tpu.memory_space<vmem>> -> memref<2x128xi32, #tpu.memory_space<vmem>>
      %dma_wait3A_718 = arith.constant 0 : i32
      %dma_wait3A_719 = arith.constant 0 : i32
      %dma_wait3A_720 = tpu.memref_slice %arg3[%dma_wait3A_718, %dma_wait3A_719] : memref<2x320000xi32, #tpu.memory_space<hbm>> -> memref<2x128xi32, #tpu.memory_space<hbm>>
      %dma_wait3A_721 = arith.constant 0 : i32
      %dma_wait3A_722 = arith.constant 0 : i32
      %dma_wait3A_723 = tpu.memref_slice %arg5[%dma_wait3A_713, %dma_wait3A_721, %dma_wait3A_722] : memref<6x2x128xi32, #tpu.memory_space<vmem>> -> memref<1x2x128xi32, #tpu.memory_space<vmem>>
      %dma_wait3A_724 = tpu.memref_squeeze %dma_wait3A_723 : memref<1x2x128xi32, #tpu.memory_space<vmem>> -> memref<2x128xi32, #tpu.memory_space<vmem>>
      %dma_wait3A_725 = arith.constant 0 : i32
      %dma_wait3A_726 = arith.constant 0 : i32
      %dma_wait3A_727 = tpu.memref_slice %arg3[%dma_wait3A_725, %dma_wait3A_726] : memref<2x320000xi32, #tpu.memory_space<hbm>> -> memref<2x128xi32, #tpu.memory_space<hbm>>
      tpu.wait_dma2 semaphore(%arg10 : memref<!tpu.dma_semaphore, #tpu.memory_space<semaphore_mem>>) src(%dma_wait3A_727 : memref<2x128xi32, #tpu.memory_space<hbm>>) dst(%dma_wait3A_724 : memref<2x128xi32, #tpu.memory_space<vmem>>)
      %dma_start3A_728 = arith.constant 5 : i32
      %dma_start3A_729 = arith.constant 0 : i32
      %dma_start3A_730 = arith.constant 0 : i32
      %dma_start3A_731 = tpu.memref_slice %arg5[%dma_start3A_728, %dma_start3A_729, %dma_start3A_730] : memref<6x2x128xi32, #tpu.memory_space<vmem>> -> memref<1x1x128xi32, #tpu.memory_space<vmem>>
      %dma_start3A_732 = tpu.memref_squeeze %dma_start3A_731 : memref<1x1x128xi32, #tpu.memory_space<vmem>> -> memref<128xi32, #tpu.memory_space<vmem>>
      %dma_start3A_733 = arith.constant 0 : i32
      %dma_start3A_734 = arith.constant 0 : i32
      %dma_start3A_735 = tpu.memref_slice %arg2[%dma_start3A_733, %dma_start3A_734] : memref<10000x128xf32, #tpu.memory_space<hbm>> -> memref<10000x128xf32, #tpu.memory_space<hbm>>
      tpu.enqueue_indirect_dma source(%dma_start3A_735 : memref<10000x128xf32, #tpu.memory_space<hbm>>) target(%arg8 : memref<128x128xf32, #tpu.memory_space<vmem>>) offsets(%dma_start3A_732 : memref<128xi32, #tpu.memory_space<vmem>>) semaphore(%arg11 : memref<!tpu.dma_semaphore, #tpu.memory_space<semaphore_mem>>)
      %dma_wait3A_736 = arith.constant 0 : i32
      %dma_wait3A_737 = arith.constant 0 : i32
      %dma_wait3A_738 = arith.constant 0 : i32
      %dma_wait3A_739 = tpu.memref_slice %arg5[%dma_wait3A_736, %dma_wait3A_737, %dma_wait3A_738] : memref<6x2x128xi32, #tpu.memory_space<vmem>> -> memref<1x1x128xi32, #tpu.memory_space<vmem>>
      %dma_wait3A_740 = tpu.memref_squeeze %dma_wait3A_739 : memref<1x1x128xi32, #tpu.memory_space<vmem>> -> memref<128xi32, #tpu.memory_space<vmem>>
      %dma_wait3A_741 = arith.constant 0 : i32
      %dma_wait3A_742 = arith.constant 0 : i32
      %dma_wait3A_743 = tpu.memref_slice %arg2[%dma_wait3A_741, %dma_wait3A_742] : memref<10000x128xf32, #tpu.memory_space<hbm>> -> memref<10000x128xf32, #tpu.memory_space<hbm>>
      tpu.wait_indirect_dma semaphore(%arg11 : memref<!tpu.dma_semaphore, #tpu.memory_space<semaphore_mem>>) src(%dma_wait3A_743 : memref<10000x128xf32, #tpu.memory_space<hbm>>) dst(%arg7 : memref<128x128xf32, #tpu.memory_space<vmem>>)
      %dma_start3A_744 = arith.constant 4 : i32
      %dma_start3A_745 = arith.constant 1 : i32
      %dma_start3A_746 = arith.constant 0 : i32
      %dma_start3A_747 = tpu.memref_slice %arg5[%dma_start3A_744, %dma_start3A_745, %dma_start3A_746] : memref<6x2x128xi32, #tpu.memory_space<vmem>> -> memref<1x1x128xi32, #tpu.memory_space<vmem>>
      %dma_start3A_748 = tpu.memref_squeeze %dma_start3A_747 : memref<1x1x128xi32, #tpu.memory_space<vmem>> -> memref<128xi32, #tpu.memory_space<vmem>>
      %dma_start3A_749 = arith.constant 0 : i32
      %dma_start3A_750 = arith.constant 0 : i32
      %dma_start3A_751 = tpu.memref_slice %arg9[%dma_start3A_749, %dma_start3A_750] : memref<10000x128xf32, #tpu.memory_space<vmem_shared>> -> memref<10000x128xf32, #tpu.memory_space<vmem_shared>>
      tpu.enqueue_indirect_dma source(%arg7 : memref<128x128xf32, #tpu.memory_space<vmem>>) target(%dma_start3A_751 : memref<10000x128xf32, #tpu.memory_space<vmem_shared>>) offsets(%dma_start3A_748 : memref<128xi32, #tpu.memory_space<vmem>>) semaphore(%arg12 : memref<!tpu.dma_semaphore, #tpu.memory_space<semaphore_mem>>) {add = true}
      %mul3A_752 = arith.constant 6 : i32
      %mul3A_753 = arith.muli %scan3A_421, %mul3A_752 : i32
      %add3A_754 = arith.constant 5 : i32
      %add3A_755 = arith.addi %mul3A_753, %add3A_754 : i32
      %ge3A_756 = arith.constant 2 : i32
      %ge3A_757 = arith.cmpi sge, %add3A_755, %ge3A_756 : i32
      %convert_element_type3A_758 = arith.extui %ge3A_757 : i1 to i32
      %cond3A_759 = arith.constant 0 : i32
      %cond3A_760 = arith.cmpi ne, %convert_element_type3A_758, %cond3A_759 : i32
      scf.if %cond3A_760 {
        %dma_wait3A_819 = arith.constant 0 : i32
        %dma_wait3A_820 = arith.constant 1 : i32
        %dma_wait3A_821 = arith.constant 0 : i32
        %dma_wait3A_822 = tpu.memref_slice %arg5[%dma_wait3A_819, %dma_wait3A_820, %dma_wait3A_821] : memref<6x2x128xi32, #tpu.memory_space<vmem>> -> memref<1x1x128xi32, #tpu.memory_space<vmem>>
        %dma_wait3A_823 = tpu.memref_squeeze %dma_wait3A_822 : memref<1x1x128xi32, #tpu.memory_space<vmem>> -> memref<128xi32, #tpu.memory_space<vmem>>
        %dma_wait3A_824 = arith.constant 0 : i32
        %dma_wait3A_825 = arith.constant 0 : i32
        %dma_wait3A_826 = tpu.memref_slice %arg9[%dma_wait3A_824, %dma_wait3A_825] : memref<10000x128xf32, #tpu.memory_space<vmem_shared>> -> memref<10000x128xf32, #tpu.memory_space<vmem_shared>>
        tpu.wait_indirect_dma semaphore(%arg12 : memref<!tpu.dma_semaphore, #tpu.memory_space<semaphore_mem>>) src(%arg6 : memref<128x128xf32, #tpu.memory_space<vmem>>) dst(%dma_wait3A_826 : memref<10000x128xf32, #tpu.memory_space<vmem_shared>>)
      } else {
      }
      %add3A_761 = arith.constant 4 : i32
      %add3A_762 = arith.addi %add3A_755, %add3A_761 : i32
      %add3A_763 = arith.addi %mul3A_4, %add3A_762 : i32
      %mul3A_764 = arith.constant 128 : i32
      %mul3A_765 = arith.muli %add3A_763, %mul3A_764 : i32
      %dma_start3A_766 = arith.constant 3 : i32
      %dma_start3A_767 = arith.constant 0 : i32
      %dma_start3A_768 = arith.constant 0 : i32
      %dma_start3A_769 = tpu.memref_slice %arg5[%dma_start3A_766, %dma_start3A_767, %dma_start3A_768] : memref<6x2x128xi32, #tpu.memory_space<vmem>> -> memref<1x2x128xi32, #tpu.memory_space<vmem>>
      %dma_start3A_770 = tpu.memref_squeeze %dma_start3A_769 : memref<1x2x128xi32, #tpu.memory_space<vmem>> -> memref<2x128xi32, #tpu.memory_space<vmem>>
      %dma_start3A_771 = arith.constant 0 : i32
      %dma_start3A_772 = tpu.memref_slice %arg3[%dma_start3A_771, %mul3A_765] : memref<2x320000xi32, #tpu.memory_space<hbm>> -> memref<2x128xi32, #tpu.memory_space<hbm>>
      %dma_start3A_773 = arith.constant 0 : i32
      %dma_start3A_774 = arith.constant 0 : i32
      %dma_start3A_775 = tpu.memref_slice %arg5[%dma_start3A_766, %dma_start3A_773, %dma_start3A_774] : memref<6x2x128xi32, #tpu.memory_space<vmem>> -> memref<1x2x128xi32, #tpu.memory_space<vmem>>
      %dma_start3A_776 = tpu.memref_squeeze %dma_start3A_775 : memref<1x2x128xi32, #tpu.memory_space<vmem>> -> memref<2x128xi32, #tpu.memory_space<vmem>>
      %dma_start3A_777 = arith.constant 0 : i32
      %dma_start3A_778 = tpu.memref_slice %arg3[%dma_start3A_777, %mul3A_765] : memref<2x320000xi32, #tpu.memory_space<hbm>> -> memref<2x128xi32, #tpu.memory_space<hbm>>
      tpu.enqueue_dma source(%dma_start3A_778 : memref<2x128xi32, #tpu.memory_space<hbm>>) target(%dma_start3A_776 : memref<2x128xi32, #tpu.memory_space<vmem>>) target_semaphore(%arg10 : memref<!tpu.dma_semaphore, #tpu.memory_space<semaphore_mem>>)
      %dma_wait3A_779 = arith.constant 0 : i32
      %dma_wait3A_780 = arith.constant 0 : i32
      %dma_wait3A_781 = arith.constant 0 : i32
      %dma_wait3A_782 = tpu.memref_slice %arg5[%dma_wait3A_779, %dma_wait3A_780, %dma_wait3A_781] : memref<6x2x128xi32, #tpu.memory_space<vmem>> -> memref<1x2x128xi32, #tpu.memory_space<vmem>>
      %dma_wait3A_783 = tpu.memref_squeeze %dma_wait3A_782 : memref<1x2x128xi32, #tpu.memory_space<vmem>> -> memref<2x128xi32, #tpu.memory_space<vmem>>
      %dma_wait3A_784 = arith.constant 0 : i32
      %dma_wait3A_785 = arith.constant 0 : i32
      %dma_wait3A_786 = tpu.memref_slice %arg3[%dma_wait3A_784, %dma_wait3A_785] : memref<2x320000xi32, #tpu.memory_space<hbm>> -> memref<2x128xi32, #tpu.memory_space<hbm>>
      %dma_wait3A_787 = arith.constant 0 : i32
      %dma_wait3A_788 = arith.constant 0 : i32
      %dma_wait3A_789 = tpu.memref_slice %arg5[%dma_wait3A_779, %dma_wait3A_787, %dma_wait3A_788] : memref<6x2x128xi32, #tpu.memory_space<vmem>> -> memref<1x2x128xi32, #tpu.memory_space<vmem>>
      %dma_wait3A_790 = tpu.memref_squeeze %dma_wait3A_789 : memref<1x2x128xi32, #tpu.memory_space<vmem>> -> memref<2x128xi32, #tpu.memory_space<vmem>>
      %dma_wait3A_791 = arith.constant 0 : i32
      %dma_wait3A_792 = arith.constant 0 : i32
      %dma_wait3A_793 = tpu.memref_slice %arg3[%dma_wait3A_791, %dma_wait3A_792] : memref<2x320000xi32, #tpu.memory_space<hbm>> -> memref<2x128xi32, #tpu.memory_space<hbm>>
      tpu.wait_dma2 semaphore(%arg10 : memref<!tpu.dma_semaphore, #tpu.memory_space<semaphore_mem>>) src(%dma_wait3A_793 : memref<2x128xi32, #tpu.memory_space<hbm>>) dst(%dma_wait3A_790 : memref<2x128xi32, #tpu.memory_space<vmem>>)
      %dma_start3A_794 = arith.constant 0 : i32
      %dma_start3A_795 = arith.constant 0 : i32
      %dma_start3A_796 = arith.constant 0 : i32
      %dma_start3A_797 = tpu.memref_slice %arg5[%dma_start3A_794, %dma_start3A_795, %dma_start3A_796] : memref<6x2x128xi32, #tpu.memory_space<vmem>> -> memref<1x1x128xi32, #tpu.memory_space<vmem>>
      %dma_start3A_798 = tpu.memref_squeeze %dma_start3A_797 : memref<1x1x128xi32, #tpu.memory_space<vmem>> -> memref<128xi32, #tpu.memory_space<vmem>>
      %dma_start3A_799 = arith.constant 0 : i32
      %dma_start3A_800 = arith.constant 0 : i32
      %dma_start3A_801 = tpu.memref_slice %arg2[%dma_start3A_799, %dma_start3A_800] : memref<10000x128xf32, #tpu.memory_space<hbm>> -> memref<10000x128xf32, #tpu.memory_space<hbm>>
      tpu.enqueue_indirect_dma source(%dma_start3A_801 : memref<10000x128xf32, #tpu.memory_space<hbm>>) target(%arg6 : memref<128x128xf32, #tpu.memory_space<vmem>>) offsets(%dma_start3A_798 : memref<128xi32, #tpu.memory_space<vmem>>) semaphore(%arg11 : memref<!tpu.dma_semaphore, #tpu.memory_space<semaphore_mem>>)
      %dma_wait3A_802 = arith.constant 0 : i32
      %dma_wait3A_803 = arith.constant 0 : i32
      %dma_wait3A_804 = arith.constant 0 : i32
      %dma_wait3A_805 = tpu.memref_slice %arg5[%dma_wait3A_802, %dma_wait3A_803, %dma_wait3A_804] : memref<6x2x128xi32, #tpu.memory_space<vmem>> -> memref<1x1x128xi32, #tpu.memory_space<vmem>>
      %dma_wait3A_806 = tpu.memref_squeeze %dma_wait3A_805 : memref<1x1x128xi32, #tpu.memory_space<vmem>> -> memref<128xi32, #tpu.memory_space<vmem>>
      %dma_wait3A_807 = arith.constant 0 : i32
      %dma_wait3A_808 = arith.constant 0 : i32
      %dma_wait3A_809 = tpu.memref_slice %arg2[%dma_wait3A_807, %dma_wait3A_808] : memref<10000x128xf32, #tpu.memory_space<hbm>> -> memref<10000x128xf32, #tpu.memory_space<hbm>>
      tpu.wait_indirect_dma semaphore(%arg11 : memref<!tpu.dma_semaphore, #tpu.memory_space<semaphore_mem>>) src(%dma_wait3A_809 : memref<10000x128xf32, #tpu.memory_space<hbm>>) dst(%arg8 : memref<128x128xf32, #tpu.memory_space<vmem>>)
      %dma_start3A_810 = arith.constant 5 : i32
      %dma_start3A_811 = arith.constant 1 : i32
      %dma_start3A_812 = arith.constant 0 : i32
      %dma_start3A_813 = tpu.memref_slice %arg5[%dma_start3A_810, %dma_start3A_811, %dma_start3A_812] : memref<6x2x128xi32, #tpu.memory_space<vmem>> -> memref<1x1x128xi32, #tpu.memory_space<vmem>>
      %dma_start3A_814 = tpu.memref_squeeze %dma_start3A_813 : memref<1x1x128xi32, #tpu.memory_space<vmem>> -> memref<128xi32, #tpu.memory_space<vmem>>
      %dma_start3A_815 = arith.constant 0 : i32
      %dma_start3A_816 = arith.constant 0 : i32
      %dma_start3A_817 = tpu.memref_slice %arg9[%dma_start3A_815, %dma_start3A_816] : memref<10000x128xf32, #tpu.memory_space<vmem_shared>> -> memref<10000x128xf32, #tpu.memory_space<vmem_shared>>
      tpu.enqueue_indirect_dma source(%arg8 : memref<128x128xf32, #tpu.memory_space<vmem>>) target(%dma_start3A_817 : memref<10000x128xf32, #tpu.memory_space<vmem_shared>>) offsets(%dma_start3A_814 : memref<128xi32, #tpu.memory_space<vmem>>) semaphore(%arg12 : memref<!tpu.dma_semaphore, #tpu.memory_space<semaphore_mem>>) {add = true}
      %scan3A_818 = arith.constant 0 : i32
      scf.yield %scan3A_818 : i32
    }
    %scan3A_101 = arith.constant 12 : i32
    %dma_wait3A_102 = arith.constant 0 : i32
    %dma_wait3A_103 = arith.constant 1 : i32
    %dma_wait3A_104 = arith.constant 0 : i32
    %dma_wait3A_105 = tpu.memref_slice %arg5[%dma_wait3A_102, %dma_wait3A_103, %dma_wait3A_104] : memref<6x2x128xi32, #tpu.memory_space<vmem>> -> memref<1x1x128xi32, #tpu.memory_space<vmem>>
    %dma_wait3A_106 = tpu.memref_squeeze %dma_wait3A_105 : memref<1x1x128xi32, #tpu.memory_space<vmem>> -> memref<128xi32, #tpu.memory_space<vmem>>
    %dma_wait3A_107 = arith.constant 0 : i32
    %dma_wait3A_108 = arith.constant 0 : i32
    %dma_wait3A_109 = tpu.memref_slice %arg9[%dma_wait3A_107, %dma_wait3A_108] : memref<10000x128xf32, #tpu.memory_space<vmem_shared>> -> memref<10000x128xf32, #tpu.memory_space<vmem_shared>>
    tpu.wait_indirect_dma semaphore(%arg12 : memref<!tpu.dma_semaphore, #tpu.memory_space<semaphore_mem>>) src(%arg7 : memref<128x128xf32, #tpu.memory_space<vmem>>) dst(%dma_wait3A_109 : memref<10000x128xf32, #tpu.memory_space<vmem_shared>>)
    %add3A_110 = arith.constant 76 : i32
    %add3A_111 = arith.addi %mul3A_4, %add3A_110 : i32
    %mul3A_112 = arith.constant 128 : i32
    %mul3A_113 = arith.muli %add3A_111, %mul3A_112 : i32
    %dma_start3A_114 = arith.constant 4 : i32
    %dma_start3A_115 = arith.constant 0 : i32
    %dma_start3A_116 = arith.constant 0 : i32
    %dma_start3A_117 = tpu.memref_slice %arg5[%dma_start3A_114, %dma_start3A_115, %dma_start3A_116] : memref<6x2x128xi32, #tpu.memory_space<vmem>> -> memref<1x2x128xi32, #tpu.memory_space<vmem>>
    %dma_start3A_118 = tpu.memref_squeeze %dma_start3A_117 : memref<1x2x128xi32, #tpu.memory_space<vmem>> -> memref<2x128xi32, #tpu.memory_space<vmem>>
    %dma_start3A_119 = arith.constant 0 : i32
    %dma_start3A_120 = tpu.memref_slice %arg3[%dma_start3A_119, %mul3A_113] : memref<2x320000xi32, #tpu.memory_space<hbm>> -> memref<2x128xi32, #tpu.memory_space<hbm>>
    %dma_start3A_121 = arith.constant 0 : i32
    %dma_start3A_122 = arith.constant 0 : i32
    %dma_start3A_123 = tpu.memref_slice %arg5[%dma_start3A_114, %dma_start3A_121, %dma_start3A_122] : memref<6x2x128xi32, #tpu.memory_space<vmem>> -> memref<1x2x128xi32, #tpu.memory_space<vmem>>
    %dma_start3A_124 = tpu.memref_squeeze %dma_start3A_123 : memref<1x2x128xi32, #tpu.memory_space<vmem>> -> memref<2x128xi32, #tpu.memory_space<vmem>>
    %dma_start3A_125 = arith.constant 0 : i32
    %dma_start3A_126 = tpu.memref_slice %arg3[%dma_start3A_125, %mul3A_113] : memref<2x320000xi32, #tpu.memory_space<hbm>> -> memref<2x128xi32, #tpu.memory_space<hbm>>
    tpu.enqueue_dma source(%dma_start3A_126 : memref<2x128xi32, #tpu.memory_space<hbm>>) target(%dma_start3A_124 : memref<2x128xi32, #tpu.memory_space<vmem>>) target_semaphore(%arg10 : memref<!tpu.dma_semaphore, #tpu.memory_space<semaphore_mem>>)
    %dma_wait3A_127 = arith.constant 0 : i32
    %dma_wait3A_128 = arith.constant 0 : i32
    %dma_wait3A_129 = arith.constant 0 : i32
    %dma_wait3A_130 = tpu.memref_slice %arg5[%dma_wait3A_127, %dma_wait3A_128, %dma_wait3A_129] : memref<6x2x128xi32, #tpu.memory_space<vmem>> -> memref<1x2x128xi32, #tpu.memory_space<vmem>>
    %dma_wait3A_131 = tpu.memref_squeeze %dma_wait3A_130 : memref<1x2x128xi32, #tpu.memory_space<vmem>> -> memref<2x128xi32, #tpu.memory_space<vmem>>
    %dma_wait3A_132 = arith.constant 0 : i32
    %dma_wait3A_133 = arith.constant 0 : i32
    %dma_wait3A_134 = tpu.memref_slice %arg3[%dma_wait3A_132, %dma_wait3A_133] : memref<2x320000xi32, #tpu.memory_space<hbm>> -> memref<2x128xi32, #tpu.memory_space<hbm>>
    %dma_wait3A_135 = arith.constant 0 : i32
    %dma_wait3A_136 = arith.constant 0 : i32
    %dma_wait3A_137 = tpu.memref_slice %arg5[%dma_wait3A_127, %dma_wait3A_135, %dma_wait3A_136] : memref<6x2x128xi32, #tpu.memory_space<vmem>> -> memref<1x2x128xi32, #tpu.memory_space<vmem>>
    %dma_wait3A_138 = tpu.memref_squeeze %dma_wait3A_137 : memref<1x2x128xi32, #tpu.memory_space<vmem>> -> memref<2x128xi32, #tpu.memory_space<vmem>>
    %dma_wait3A_139 = arith.constant 0 : i32
    %dma_wait3A_140 = arith.constant 0 : i32
    %dma_wait3A_141 = tpu.memref_slice %arg3[%dma_wait3A_139, %dma_wait3A_140] : memref<2x320000xi32, #tpu.memory_space<hbm>> -> memref<2x128xi32, #tpu.memory_space<hbm>>
    tpu.wait_dma2 semaphore(%arg10 : memref<!tpu.dma_semaphore, #tpu.memory_space<semaphore_mem>>) src(%dma_wait3A_141 : memref<2x128xi32, #tpu.memory_space<hbm>>) dst(%dma_wait3A_138 : memref<2x128xi32, #tpu.memory_space<vmem>>)
    %dma_start3A_142 = arith.constant 1 : i32
    %dma_start3A_143 = arith.constant 0 : i32
    %dma_start3A_144 = arith.constant 0 : i32
    %dma_start3A_145 = tpu.memref_slice %arg5[%dma_start3A_142, %dma_start3A_143, %dma_start3A_144] : memref<6x2x128xi32, #tpu.memory_space<vmem>> -> memref<1x1x128xi32, #tpu.memory_space<vmem>>
    %dma_start3A_146 = tpu.memref_squeeze %dma_start3A_145 : memref<1x1x128xi32, #tpu.memory_space<vmem>> -> memref<128xi32, #tpu.memory_space<vmem>>
    %dma_start3A_147 = arith.constant 0 : i32
    %dma_start3A_148 = arith.constant 0 : i32
    %dma_start3A_149 = tpu.memref_slice %arg2[%dma_start3A_147, %dma_start3A_148] : memref<10000x128xf32, #tpu.memory_space<hbm>> -> memref<10000x128xf32, #tpu.memory_space<hbm>>
    tpu.enqueue_indirect_dma source(%dma_start3A_149 : memref<10000x128xf32, #tpu.memory_space<hbm>>) target(%arg7 : memref<128x128xf32, #tpu.memory_space<vmem>>) offsets(%dma_start3A_146 : memref<128xi32, #tpu.memory_space<vmem>>) semaphore(%arg11 : memref<!tpu.dma_semaphore, #tpu.memory_space<semaphore_mem>>)
    %dma_wait3A_150 = arith.constant 0 : i32
    %dma_wait3A_151 = arith.constant 0 : i32
    %dma_wait3A_152 = arith.constant 0 : i32
    %dma_wait3A_153 = tpu.memref_slice %arg5[%dma_wait3A_150, %dma_wait3A_151, %dma_wait3A_152] : memref<6x2x128xi32, #tpu.memory_space<vmem>> -> memref<1x1x128xi32, #tpu.memory_space<vmem>>
    %dma_wait3A_154 = tpu.memref_squeeze %dma_wait3A_153 : memref<1x1x128xi32, #tpu.memory_space<vmem>> -> memref<128xi32, #tpu.memory_space<vmem>>
    %dma_wait3A_155 = arith.constant 0 : i32
    %dma_wait3A_156 = arith.constant 0 : i32
    %dma_wait3A_157 = tpu.memref_slice %arg2[%dma_wait3A_155, %dma_wait3A_156] : memref<10000x128xf32, #tpu.memory_space<hbm>> -> memref<10000x128xf32, #tpu.memory_space<hbm>>
    tpu.wait_indirect_dma semaphore(%arg11 : memref<!tpu.dma_semaphore, #tpu.memory_space<semaphore_mem>>) src(%dma_wait3A_157 : memref<10000x128xf32, #tpu.memory_space<hbm>>) dst(%arg6 : memref<128x128xf32, #tpu.memory_space<vmem>>)
    %dma_start3A_158 = arith.constant 0 : i32
    %dma_start3A_159 = arith.constant 1 : i32
    %dma_start3A_160 = arith.constant 0 : i32
    %dma_start3A_161 = tpu.memref_slice %arg5[%dma_start3A_158, %dma_start3A_159, %dma_start3A_160] : memref<6x2x128xi32, #tpu.memory_space<vmem>> -> memref<1x1x128xi32, #tpu.memory_space<vmem>>
    %dma_start3A_162 = tpu.memref_squeeze %dma_start3A_161 : memref<1x1x128xi32, #tpu.memory_space<vmem>> -> memref<128xi32, #tpu.memory_space<vmem>>
    %dma_start3A_163 = arith.constant 0 : i32
    %dma_start3A_164 = arith.constant 0 : i32
    %dma_start3A_165 = tpu.memref_slice %arg9[%dma_start3A_163, %dma_start3A_164] : memref<10000x128xf32, #tpu.memory_space<vmem_shared>> -> memref<10000x128xf32, #tpu.memory_space<vmem_shared>>
    tpu.enqueue_indirect_dma source(%arg6 : memref<128x128xf32, #tpu.memory_space<vmem>>) target(%dma_start3A_165 : memref<10000x128xf32, #tpu.memory_space<vmem_shared>>) offsets(%dma_start3A_162 : memref<128xi32, #tpu.memory_space<vmem>>) semaphore(%arg12 : memref<!tpu.dma_semaphore, #tpu.memory_space<semaphore_mem>>) {add = true}
    %dma_wait3A_166 = arith.constant 0 : i32
    %dma_wait3A_167 = arith.constant 1 : i32
    %dma_wait3A_168 = arith.constant 0 : i32
    %dma_wait3A_169 = tpu.memref_slice %arg5[%dma_wait3A_166, %dma_wait3A_167, %dma_wait3A_168] : memref<6x2x128xi32, #tpu.memory_space<vmem>> -> memref<1x1x128xi32, #tpu.memory_space<vmem>>
    %dma_wait3A_170 = tpu.memref_squeeze %dma_wait3A_169 : memref<1x1x128xi32, #tpu.memory_space<vmem>> -> memref<128xi32, #tpu.memory_space<vmem>>
    %dma_wait3A_171 = arith.constant 0 : i32
    %dma_wait3A_172 = arith.constant 0 : i32
    %dma_wait3A_173 = tpu.memref_slice %arg9[%dma_wait3A_171, %dma_wait3A_172] : memref<10000x128xf32, #tpu.memory_space<vmem_shared>> -> memref<10000x128xf32, #tpu.memory_space<vmem_shared>>
    tpu.wait_indirect_dma semaphore(%arg12 : memref<!tpu.dma_semaphore, #tpu.memory_space<semaphore_mem>>) src(%arg8 : memref<128x128xf32, #tpu.memory_space<vmem>>) dst(%dma_wait3A_173 : memref<10000x128xf32, #tpu.memory_space<vmem_shared>>)
    %add3A_174 = arith.constant 77 : i32
    %add3A_175 = arith.addi %mul3A_4, %add3A_174 : i32
    %mul3A_176 = arith.constant 128 : i32
    %mul3A_177 = arith.muli %add3A_175, %mul3A_176 : i32
    %dma_start3A_178 = arith.constant 5 : i32
    %dma_start3A_179 = arith.constant 0 : i32
    %dma_start3A_180 = arith.constant 0 : i32
    %dma_start3A_181 = tpu.memref_slice %arg5[%dma_start3A_178, %dma_start3A_179, %dma_start3A_180] : memref<6x2x128xi32, #tpu.memory_space<vmem>> -> memref<1x2x128xi32, #tpu.memory_space<vmem>>
    %dma_start3A_182 = tpu.memref_squeeze %dma_start3A_181 : memref<1x2x128xi32, #tpu.memory_space<vmem>> -> memref<2x128xi32, #tpu.memory_space<vmem>>
    %dma_start3A_183 = arith.constant 0 : i32
    %dma_start3A_184 = tpu.memref_slice %arg3[%dma_start3A_183, %mul3A_177] : memref<2x320000xi32, #tpu.memory_space<hbm>> -> memref<2x128xi32, #tpu.memory_space<hbm>>
    %dma_start3A_185 = arith.constant 0 : i32
    %dma_start3A_186 = arith.constant 0 : i32
    %dma_start3A_187 = tpu.memref_slice %arg5[%dma_start3A_178, %dma_start3A_185, %dma_start3A_186] : memref<6x2x128xi32, #tpu.memory_space<vmem>> -> memref<1x2x128xi32, #tpu.memory_space<vmem>>
    %dma_start3A_188 = tpu.memref_squeeze %dma_start3A_187 : memref<1x2x128xi32, #tpu.memory_space<vmem>> -> memref<2x128xi32, #tpu.memory_space<vmem>>
    %dma_start3A_189 = arith.constant 0 : i32
    %dma_start3A_190 = tpu.memref_slice %arg3[%dma_start3A_189, %mul3A_177] : memref<2x320000xi32, #tpu.memory_space<hbm>> -> memref<2x128xi32, #tpu.memory_space<hbm>>
    tpu.enqueue_dma source(%dma_start3A_190 : memref<2x128xi32, #tpu.memory_space<hbm>>) target(%dma_start3A_188 : memref<2x128xi32, #tpu.memory_space<vmem>>) target_semaphore(%arg10 : memref<!tpu.dma_semaphore, #tpu.memory_space<semaphore_mem>>)
    %dma_wait3A_191 = arith.constant 0 : i32
    %dma_wait3A_192 = arith.constant 0 : i32
    %dma_wait3A_193 = arith.constant 0 : i32
    %dma_wait3A_194 = tpu.memref_slice %arg5[%dma_wait3A_191, %dma_wait3A_192, %dma_wait3A_193] : memref<6x2x128xi32, #tpu.memory_space<vmem>> -> memref<1x2x128xi32, #tpu.memory_space<vmem>>
    %dma_wait3A_195 = tpu.memref_squeeze %dma_wait3A_194 : memref<1x2x128xi32, #tpu.memory_space<vmem>> -> memref<2x128xi32, #tpu.memory_space<vmem>>
    %dma_wait3A_196 = arith.constant 0 : i32
    %dma_wait3A_197 = arith.constant 0 : i32
    %dma_wait3A_198 = tpu.memref_slice %arg3[%dma_wait3A_196, %dma_wait3A_197] : memref<2x320000xi32, #tpu.memory_space<hbm>> -> memref<2x128xi32, #tpu.memory_space<hbm>>
    %dma_wait3A_199 = arith.constant 0 : i32
    %dma_wait3A_200 = arith.constant 0 : i32
    %dma_wait3A_201 = tpu.memref_slice %arg5[%dma_wait3A_191, %dma_wait3A_199, %dma_wait3A_200] : memref<6x2x128xi32, #tpu.memory_space<vmem>> -> memref<1x2x128xi32, #tpu.memory_space<vmem>>
    %dma_wait3A_202 = tpu.memref_squeeze %dma_wait3A_201 : memref<1x2x128xi32, #tpu.memory_space<vmem>> -> memref<2x128xi32, #tpu.memory_space<vmem>>
    %dma_wait3A_203 = arith.constant 0 : i32
    %dma_wait3A_204 = arith.constant 0 : i32
    %dma_wait3A_205 = tpu.memref_slice %arg3[%dma_wait3A_203, %dma_wait3A_204] : memref<2x320000xi32, #tpu.memory_space<hbm>> -> memref<2x128xi32, #tpu.memory_space<hbm>>
    tpu.wait_dma2 semaphore(%arg10 : memref<!tpu.dma_semaphore, #tpu.memory_space<semaphore_mem>>) src(%dma_wait3A_205 : memref<2x128xi32, #tpu.memory_space<hbm>>) dst(%dma_wait3A_202 : memref<2x128xi32, #tpu.memory_space<vmem>>)
    %dma_start3A_206 = arith.constant 2 : i32
    %dma_start3A_207 = arith.constant 0 : i32
    %dma_start3A_208 = arith.constant 0 : i32
    %dma_start3A_209 = tpu.memref_slice %arg5[%dma_start3A_206, %dma_start3A_207, %dma_start3A_208] : memref<6x2x128xi32, #tpu.memory_space<vmem>> -> memref<1x1x128xi32, #tpu.memory_space<vmem>>
    %dma_start3A_210 = tpu.memref_squeeze %dma_start3A_209 : memref<1x1x128xi32, #tpu.memory_space<vmem>> -> memref<128xi32, #tpu.memory_space<vmem>>
    %dma_start3A_211 = arith.constant 0 : i32
    %dma_start3A_212 = arith.constant 0 : i32
    %dma_start3A_213 = tpu.memref_slice %arg2[%dma_start3A_211, %dma_start3A_212] : memref<10000x128xf32, #tpu.memory_space<hbm>> -> memref<10000x128xf32, #tpu.memory_space<hbm>>
    tpu.enqueue_indirect_dma source(%dma_start3A_213 : memref<10000x128xf32, #tpu.memory_space<hbm>>) target(%arg8 : memref<128x128xf32, #tpu.memory_space<vmem>>) offsets(%dma_start3A_210 : memref<128xi32, #tpu.memory_space<vmem>>) semaphore(%arg11 : memref<!tpu.dma_semaphore, #tpu.memory_space<semaphore_mem>>)
    %dma_wait3A_214 = arith.constant 0 : i32
    %dma_wait3A_215 = arith.constant 0 : i32
    %dma_wait3A_216 = arith.constant 0 : i32
    %dma_wait3A_217 = tpu.memref_slice %arg5[%dma_wait3A_214, %dma_wait3A_215, %dma_wait3A_216] : memref<6x2x128xi32, #tpu.memory_space<vmem>> -> memref<1x1x128xi32, #tpu.memory_space<vmem>>
    %dma_wait3A_218 = tpu.memref_squeeze %dma_wait3A_217 : memref<1x1x128xi32, #tpu.memory_space<vmem>> -> memref<128xi32, #tpu.memory_space<vmem>>
    %dma_wait3A_219 = arith.constant 0 : i32
    %dma_wait3A_220 = arith.constant 0 : i32
    %dma_wait3A_221 = tpu.memref_slice %arg2[%dma_wait3A_219, %dma_wait3A_220] : memref<10000x128xf32, #tpu.memory_space<hbm>> -> memref<10000x128xf32, #tpu.memory_space<hbm>>
    tpu.wait_indirect_dma semaphore(%arg11 : memref<!tpu.dma_semaphore, #tpu.memory_space<semaphore_mem>>) src(%dma_wait3A_221 : memref<10000x128xf32, #tpu.memory_space<hbm>>) dst(%arg7 : memref<128x128xf32, #tpu.memory_space<vmem>>)
    %dma_start3A_222 = arith.constant 1 : i32
    %dma_start3A_223 = arith.constant 1 : i32
    %dma_start3A_224 = arith.constant 0 : i32
    %dma_start3A_225 = tpu.memref_slice %arg5[%dma_start3A_222, %dma_start3A_223, %dma_start3A_224] : memref<6x2x128xi32, #tpu.memory_space<vmem>> -> memref<1x1x128xi32, #tpu.memory_space<vmem>>
    %dma_start3A_226 = tpu.memref_squeeze %dma_start3A_225 : memref<1x1x128xi32, #tpu.memory_space<vmem>> -> memref<128xi32, #tpu.memory_space<vmem>>
    %dma_start3A_227 = arith.constant 0 : i32
    %dma_start3A_228 = arith.constant 0 : i32
    %dma_start3A_229 = tpu.memref_slice %arg9[%dma_start3A_227, %dma_start3A_228] : memref<10000x128xf32, #tpu.memory_space<vmem_shared>> -> memref<10000x128xf32, #tpu.memory_space<vmem_shared>>
    tpu.enqueue_indirect_dma source(%arg7 : memref<128x128xf32, #tpu.memory_space<vmem>>) target(%dma_start3A_229 : memref<10000x128xf32, #tpu.memory_space<vmem_shared>>) offsets(%dma_start3A_226 : memref<128xi32, #tpu.memory_space<vmem>>) semaphore(%arg12 : memref<!tpu.dma_semaphore, #tpu.memory_space<semaphore_mem>>) {add = true}
    %dma_wait3A_230 = arith.constant 0 : i32
    %dma_wait3A_231 = arith.constant 1 : i32
    %dma_wait3A_232 = arith.constant 0 : i32
    %dma_wait3A_233 = tpu.memref_slice %arg5[%dma_wait3A_230, %dma_wait3A_231, %dma_wait3A_232] : memref<6x2x128xi32, #tpu.memory_space<vmem>> -> memref<1x1x128xi32, #tpu.memory_space<vmem>>
    %dma_wait3A_234 = tpu.memref_squeeze %dma_wait3A_233 : memref<1x1x128xi32, #tpu.memory_space<vmem>> -> memref<128xi32, #tpu.memory_space<vmem>>
    %dma_wait3A_235 = arith.constant 0 : i32
    %dma_wait3A_236 = arith.constant 0 : i32
    %dma_wait3A_237 = tpu.memref_slice %arg9[%dma_wait3A_235, %dma_wait3A_236] : memref<10000x128xf32, #tpu.memory_space<vmem_shared>> -> memref<10000x128xf32, #tpu.memory_space<vmem_shared>>
    tpu.wait_indirect_dma semaphore(%arg12 : memref<!tpu.dma_semaphore, #tpu.memory_space<semaphore_mem>>) src(%arg6 : memref<128x128xf32, #tpu.memory_space<vmem>>) dst(%dma_wait3A_237 : memref<10000x128xf32, #tpu.memory_space<vmem_shared>>)
    %dma_wait3A_238 = arith.constant 0 : i32
    %dma_wait3A_239 = arith.constant 0 : i32
    %dma_wait3A_240 = arith.constant 0 : i32
    %dma_wait3A_241 = tpu.memref_slice %arg5[%dma_wait3A_238, %dma_wait3A_239, %dma_wait3A_240] : memref<6x2x128xi32, #tpu.memory_space<vmem>> -> memref<1x2x128xi32, #tpu.memory_space<vmem>>
    %dma_wait3A_242 = tpu.memref_squeeze %dma_wait3A_241 : memref<1x2x128xi32, #tpu.memory_space<vmem>> -> memref<2x128xi32, #tpu.memory_space<vmem>>
    %dma_wait3A_243 = arith.constant 0 : i32
    %dma_wait3A_244 = arith.constant 0 : i32
    %dma_wait3A_245 = tpu.memref_slice %arg3[%dma_wait3A_243, %dma_wait3A_244] : memref<2x320000xi32, #tpu.memory_space<hbm>> -> memref<2x128xi32, #tpu.memory_space<hbm>>
    %dma_wait3A_246 = arith.constant 0 : i32
    %dma_wait3A_247 = arith.constant 0 : i32
    %dma_wait3A_248 = tpu.memref_slice %arg5[%dma_wait3A_238, %dma_wait3A_246, %dma_wait3A_247] : memref<6x2x128xi32, #tpu.memory_space<vmem>> -> memref<1x2x128xi32, #tpu.memory_space<vmem>>
    %dma_wait3A_249 = tpu.memref_squeeze %dma_wait3A_248 : memref<1x2x128xi32, #tpu.memory_space<vmem>> -> memref<2x128xi32, #tpu.memory_space<vmem>>
    %dma_wait3A_250 = arith.constant 0 : i32
    %dma_wait3A_251 = arith.constant 0 : i32
    %dma_wait3A_252 = tpu.memref_slice %arg3[%dma_wait3A_250, %dma_wait3A_251] : memref<2x320000xi32, #tpu.memory_space<hbm>> -> memref<2x128xi32, #tpu.memory_space<hbm>>
    tpu.wait_dma2 semaphore(%arg10 : memref<!tpu.dma_semaphore, #tpu.memory_space<semaphore_mem>>) src(%dma_wait3A_252 : memref<2x128xi32, #tpu.memory_space<hbm>>) dst(%dma_wait3A_249 : memref<2x128xi32, #tpu.memory_space<vmem>>)
    %dma_start3A_253 = arith.constant 3 : i32
    %dma_start3A_254 = arith.constant 0 : i32
    %dma_start3A_255 = arith.constant 0 : i32
    %dma_start3A_256 = tpu.memref_slice %arg5[%dma_start3A_253, %dma_start3A_254, %dma_start3A_255] : memref<6x2x128xi32, #tpu.memory_space<vmem>> -> memref<1x1x128xi32, #tpu.memory_space<vmem>>
    %dma_start3A_257 = tpu.memref_squeeze %dma_start3A_256 : memref<1x1x128xi32, #tpu.memory_space<vmem>> -> memref<128xi32, #tpu.memory_space<vmem>>
    %dma_start3A_258 = arith.constant 0 : i32
    %dma_start3A_259 = arith.constant 0 : i32
    %dma_start3A_260 = tpu.memref_slice %arg2[%dma_start3A_258, %dma_start3A_259] : memref<10000x128xf32, #tpu.memory_space<hbm>> -> memref<10000x128xf32, #tpu.memory_space<hbm>>
    tpu.enqueue_indirect_dma source(%dma_start3A_260 : memref<10000x128xf32, #tpu.memory_space<hbm>>) target(%arg6 : memref<128x128xf32, #tpu.memory_space<vmem>>) offsets(%dma_start3A_257 : memref<128xi32, #tpu.memory_space<vmem>>) semaphore(%arg11 : memref<!tpu.dma_semaphore, #tpu.memory_space<semaphore_mem>>)
    %dma_wait3A_261 = arith.constant 0 : i32
    %dma_wait3A_262 = arith.constant 0 : i32
    %dma_wait3A_263 = arith.constant 0 : i32
    %dma_wait3A_264 = tpu.memref_slice %arg5[%dma_wait3A_261, %dma_wait3A_262, %dma_wait3A_263] : memref<6x2x128xi32, #tpu.memory_space<vmem>> -> memref<1x1x128xi32, #tpu.memory_space<vmem>>
    %dma_wait3A_265 = tpu.memref_squeeze %dma_wait3A_264 : memref<1x1x128xi32, #tpu.memory_space<vmem>> -> memref<128xi32, #tpu.memory_space<vmem>>
    %dma_wait3A_266 = arith.constant 0 : i32
    %dma_wait3A_267 = arith.constant 0 : i32
    %dma_wait3A_268 = tpu.memref_slice %arg2[%dma_wait3A_266, %dma_wait3A_267] : memref<10000x128xf32, #tpu.memory_space<hbm>> -> memref<10000x128xf32, #tpu.memory_space<hbm>>
    tpu.wait_indirect_dma semaphore(%arg11 : memref<!tpu.dma_semaphore, #tpu.memory_space<semaphore_mem>>) src(%dma_wait3A_268 : memref<10000x128xf32, #tpu.memory_space<hbm>>) dst(%arg8 : memref<128x128xf32, #tpu.memory_space<vmem>>)
    %dma_start3A_269 = arith.constant 2 : i32
    %dma_start3A_270 = arith.constant 1 : i32
    %dma_start3A_271 = arith.constant 0 : i32
    %dma_start3A_272 = tpu.memref_slice %arg5[%dma_start3A_269, %dma_start3A_270, %dma_start3A_271] : memref<6x2x128xi32, #tpu.memory_space<vmem>> -> memref<1x1x128xi32, #tpu.memory_space<vmem>>
    %dma_start3A_273 = tpu.memref_squeeze %dma_start3A_272 : memref<1x1x128xi32, #tpu.memory_space<vmem>> -> memref<128xi32, #tpu.memory_space<vmem>>
    %dma_start3A_274 = arith.constant 0 : i32
    %dma_start3A_275 = arith.constant 0 : i32
    %dma_start3A_276 = tpu.memref_slice %arg9[%dma_start3A_274, %dma_start3A_275] : memref<10000x128xf32, #tpu.memory_space<vmem_shared>> -> memref<10000x128xf32, #tpu.memory_space<vmem_shared>>
    tpu.enqueue_indirect_dma source(%arg8 : memref<128x128xf32, #tpu.memory_space<vmem>>) target(%dma_start3A_276 : memref<10000x128xf32, #tpu.memory_space<vmem_shared>>) offsets(%dma_start3A_273 : memref<128xi32, #tpu.memory_space<vmem>>) semaphore(%arg12 : memref<!tpu.dma_semaphore, #tpu.memory_space<semaphore_mem>>) {add = true}
    %dma_wait3A_277 = arith.constant 0 : i32
    %dma_wait3A_278 = arith.constant 1 : i32
    %dma_wait3A_279 = arith.constant 0 : i32
    %dma_wait3A_280 = tpu.memref_slice %arg5[%dma_wait3A_277, %dma_wait3A_278, %dma_wait3A_279] : memref<6x2x128xi32, #tpu.memory_space<vmem>> -> memref<1x1x128xi32, #tpu.memory_space<vmem>>
    %dma_wait3A_281 = tpu.memref_squeeze %dma_wait3A_280 : memref<1x1x128xi32, #tpu.memory_space<vmem>> -> memref<128xi32, #tpu.memory_space<vmem>>
    %dma_wait3A_282 = arith.constant 0 : i32
    %dma_wait3A_283 = arith.constant 0 : i32
    %dma_wait3A_284 = tpu.memref_slice %arg9[%dma_wait3A_282, %dma_wait3A_283] : memref<10000x128xf32, #tpu.memory_space<vmem_shared>> -> memref<10000x128xf32, #tpu.memory_space<vmem_shared>>
    tpu.wait_indirect_dma semaphore(%arg12 : memref<!tpu.dma_semaphore, #tpu.memory_space<semaphore_mem>>) src(%arg7 : memref<128x128xf32, #tpu.memory_space<vmem>>) dst(%dma_wait3A_284 : memref<10000x128xf32, #tpu.memory_space<vmem_shared>>)
    %dma_wait3A_285 = arith.constant 0 : i32
    %dma_wait3A_286 = arith.constant 0 : i32
    %dma_wait3A_287 = arith.constant 0 : i32
    %dma_wait3A_288 = tpu.memref_slice %arg5[%dma_wait3A_285, %dma_wait3A_286, %dma_wait3A_287] : memref<6x2x128xi32, #tpu.memory_space<vmem>> -> memref<1x2x128xi32, #tpu.memory_space<vmem>>
    %dma_wait3A_289 = tpu.memref_squeeze %dma_wait3A_288 : memref<1x2x128xi32, #tpu.memory_space<vmem>> -> memref<2x128xi32, #tpu.memory_space<vmem>>
    %dma_wait3A_290 = arith.constant 0 : i32
    %dma_wait3A_291 = arith.constant 0 : i32
    %dma_wait3A_292 = tpu.memref_slice %arg3[%dma_wait3A_290, %dma_wait3A_291] : memref<2x320000xi32, #tpu.memory_space<hbm>> -> memref<2x128xi32, #tpu.memory_space<hbm>>
    %dma_wait3A_293 = arith.constant 0 : i32
    %dma_wait3A_294 = arith.constant 0 : i32
    %dma_wait3A_295 = tpu.memref_slice %arg5[%dma_wait3A_285, %dma_wait3A_293, %dma_wait3A_294] : memref<6x2x128xi32, #tpu.memory_space<vmem>> -> memref<1x2x128xi32, #tpu.memory_space<vmem>>
    %dma_wait3A_296 = tpu.memref_squeeze %dma_wait3A_295 : memref<1x2x128xi32, #tpu.memory_space<vmem>> -> memref<2x128xi32, #tpu.memory_space<vmem>>
    %dma_wait3A_297 = arith.constant 0 : i32
    %dma_wait3A_298 = arith.constant 0 : i32
    %dma_wait3A_299 = tpu.memref_slice %arg3[%dma_wait3A_297, %dma_wait3A_298] : memref<2x320000xi32, #tpu.memory_space<hbm>> -> memref<2x128xi32, #tpu.memory_space<hbm>>
    tpu.wait_dma2 semaphore(%arg10 : memref<!tpu.dma_semaphore, #tpu.memory_space<semaphore_mem>>) src(%dma_wait3A_299 : memref<2x128xi32, #tpu.memory_space<hbm>>) dst(%dma_wait3A_296 : memref<2x128xi32, #tpu.memory_space<vmem>>)
    %dma_start3A_300 = arith.constant 4 : i32
    %dma_start3A_301 = arith.constant 0 : i32
    %dma_start3A_302 = arith.constant 0 : i32
    %dma_start3A_303 = tpu.memref_slice %arg5[%dma_start3A_300, %dma_start3A_301, %dma_start3A_302] : memref<6x2x128xi32, #tpu.memory_space<vmem>> -> memref<1x1x128xi32, #tpu.memory_space<vmem>>
    %dma_start3A_304 = tpu.memref_squeeze %dma_start3A_303 : memref<1x1x128xi32, #tpu.memory_space<vmem>> -> memref<128xi32, #tpu.memory_space<vmem>>
    %dma_start3A_305 = arith.constant 0 : i32
    %dma_start3A_306 = arith.constant 0 : i32
    %dma_start3A_307 = tpu.memref_slice %arg2[%dma_start3A_305, %dma_start3A_306] : memref<10000x128xf32, #tpu.memory_space<hbm>> -> memref<10000x128xf32, #tpu.memory_space<hbm>>
    tpu.enqueue_indirect_dma source(%dma_start3A_307 : memref<10000x128xf32, #tpu.memory_space<hbm>>) target(%arg7 : memref<128x128xf32, #tpu.memory_space<vmem>>) offsets(%dma_start3A_304 : memref<128xi32, #tpu.memory_space<vmem>>) semaphore(%arg11 : memref<!tpu.dma_semaphore, #tpu.memory_space<semaphore_mem>>)
    %dma_wait3A_308 = arith.constant 0 : i32
    %dma_wait3A_309 = arith.constant 0 : i32
    %dma_wait3A_310 = arith.constant 0 : i32
    %dma_wait3A_311 = tpu.memref_slice %arg5[%dma_wait3A_308, %dma_wait3A_309, %dma_wait3A_310] : memref<6x2x128xi32, #tpu.memory_space<vmem>> -> memref<1x1x128xi32, #tpu.memory_space<vmem>>
    %dma_wait3A_312 = tpu.memref_squeeze %dma_wait3A_311 : memref<1x1x128xi32, #tpu.memory_space<vmem>> -> memref<128xi32, #tpu.memory_space<vmem>>
    %dma_wait3A_313 = arith.constant 0 : i32
    %dma_wait3A_314 = arith.constant 0 : i32
    %dma_wait3A_315 = tpu.memref_slice %arg2[%dma_wait3A_313, %dma_wait3A_314] : memref<10000x128xf32, #tpu.memory_space<hbm>> -> memref<10000x128xf32, #tpu.memory_space<hbm>>
    tpu.wait_indirect_dma semaphore(%arg11 : memref<!tpu.dma_semaphore, #tpu.memory_space<semaphore_mem>>) src(%dma_wait3A_315 : memref<10000x128xf32, #tpu.memory_space<hbm>>) dst(%arg6 : memref<128x128xf32, #tpu.memory_space<vmem>>)
    %dma_start3A_316 = arith.constant 3 : i32
    %dma_start3A_317 = arith.constant 1 : i32
    %dma_start3A_318 = arith.constant 0 : i32
    %dma_start3A_319 = tpu.memref_slice %arg5[%dma_start3A_316, %dma_start3A_317, %dma_start3A_318] : memref<6x2x128xi32, #tpu.memory_space<vmem>> -> memref<1x1x128xi32, #tpu.memory_space<vmem>>
    %dma_start3A_320 = tpu.memref_squeeze %dma_start3A_319 : memref<1x1x128xi32, #tpu.memory_space<vmem>> -> memref<128xi32, #tpu.memory_space<vmem>>
    %dma_start3A_321 = arith.constant 0 : i32
    %dma_start3A_322 = arith.constant 0 : i32
    %dma_start3A_323 = tpu.memref_slice %arg9[%dma_start3A_321, %dma_start3A_322] : memref<10000x128xf32, #tpu.memory_space<vmem_shared>> -> memref<10000x128xf32, #tpu.memory_space<vmem_shared>>
    tpu.enqueue_indirect_dma source(%arg6 : memref<128x128xf32, #tpu.memory_space<vmem>>) target(%dma_start3A_323 : memref<10000x128xf32, #tpu.memory_space<vmem_shared>>) offsets(%dma_start3A_320 : memref<128xi32, #tpu.memory_space<vmem>>) semaphore(%arg12 : memref<!tpu.dma_semaphore, #tpu.memory_space<semaphore_mem>>) {add = true}
    %dma_wait3A_324 = arith.constant 0 : i32
    %dma_wait3A_325 = arith.constant 1 : i32
    %dma_wait3A_326 = arith.constant 0 : i32
    %dma_wait3A_327 = tpu.memref_slice %arg5[%dma_wait3A_324, %dma_wait3A_325, %dma_wait3A_326] : memref<6x2x128xi32, #tpu.memory_space<vmem>> -> memref<1x1x128xi32, #tpu.memory_space<vmem>>
    %dma_wait3A_328 = tpu.memref_squeeze %dma_wait3A_327 : memref<1x1x128xi32, #tpu.memory_space<vmem>> -> memref<128xi32, #tpu.memory_space<vmem>>
    %dma_wait3A_329 = arith.constant 0 : i32
    %dma_wait3A_330 = arith.constant 0 : i32
    %dma_wait3A_331 = tpu.memref_slice %arg9[%dma_wait3A_329, %dma_wait3A_330] : memref<10000x128xf32, #tpu.memory_space<vmem_shared>> -> memref<10000x128xf32, #tpu.memory_space<vmem_shared>>
    tpu.wait_indirect_dma semaphore(%arg12 : memref<!tpu.dma_semaphore, #tpu.memory_space<semaphore_mem>>) src(%arg8 : memref<128x128xf32, #tpu.memory_space<vmem>>) dst(%dma_wait3A_331 : memref<10000x128xf32, #tpu.memory_space<vmem_shared>>)
    %dma_wait3A_332 = arith.constant 0 : i32
    %dma_wait3A_333 = arith.constant 0 : i32
    %dma_wait3A_334 = arith.constant 0 : i32
    %dma_wait3A_335 = tpu.memref_slice %arg5[%dma_wait3A_332, %dma_wait3A_333, %dma_wait3A_334] : memref<6x2x128xi32, #tpu.memory_space<vmem>> -> memref<1x2x128xi32, #tpu.memory_space<vmem>>
    %dma_wait3A_336 = tpu.memref_squeeze %dma_wait3A_335 : memref<1x2x128xi32, #tpu.memory_space<vmem>> -> memref<2x128xi32, #tpu.memory_space<vmem>>
    %dma_wait3A_337 = arith.constant 0 : i32
    %dma_wait3A_338 = arith.constant 0 : i32
    %dma_wait3A_339 = tpu.memref_slice %arg3[%dma_wait3A_337, %dma_wait3A_338] : memref<2x320000xi32, #tpu.memory_space<hbm>> -> memref<2x128xi32, #tpu.memory_space<hbm>>
    %dma_wait3A_340 = arith.constant 0 : i32
    %dma_wait3A_341 = arith.constant 0 : i32
    %dma_wait3A_342 = tpu.memref_slice %arg5[%dma_wait3A_332, %dma_wait3A_340, %dma_wait3A_341] : memref<6x2x128xi32, #tpu.memory_space<vmem>> -> memref<1x2x128xi32, #tpu.memory_space<vmem>>
    %dma_wait3A_343 = tpu.memref_squeeze %dma_wait3A_342 : memref<1x2x128xi32, #tpu.memory_space<vmem>> -> memref<2x128xi32, #tpu.memory_space<vmem>>
    %dma_wait3A_344 = arith.constant 0 : i32
    %dma_wait3A_345 = arith.constant 0 : i32
    %dma_wait3A_346 = tpu.memref_slice %arg3[%dma_wait3A_344, %dma_wait3A_345] : memref<2x320000xi32, #tpu.memory_space<hbm>> -> memref<2x128xi32, #tpu.memory_space<hbm>>
    tpu.wait_dma2 semaphore(%arg10 : memref<!tpu.dma_semaphore, #tpu.memory_space<semaphore_mem>>) src(%dma_wait3A_346 : memref<2x128xi32, #tpu.memory_space<hbm>>) dst(%dma_wait3A_343 : memref<2x128xi32, #tpu.memory_space<vmem>>)
    %dma_start3A_347 = arith.constant 5 : i32
    %dma_start3A_348 = arith.constant 0 : i32
    %dma_start3A_349 = arith.constant 0 : i32
    %dma_start3A_350 = tpu.memref_slice %arg5[%dma_start3A_347, %dma_start3A_348, %dma_start3A_349] : memref<6x2x128xi32, #tpu.memory_space<vmem>> -> memref<1x1x128xi32, #tpu.memory_space<vmem>>
    %dma_start3A_351 = tpu.memref_squeeze %dma_start3A_350 : memref<1x1x128xi32, #tpu.memory_space<vmem>> -> memref<128xi32, #tpu.memory_space<vmem>>
    %dma_start3A_352 = arith.constant 0 : i32
    %dma_start3A_353 = arith.constant 0 : i32
    %dma_start3A_354 = tpu.memref_slice %arg2[%dma_start3A_352, %dma_start3A_353] : memref<10000x128xf32, #tpu.memory_space<hbm>> -> memref<10000x128xf32, #tpu.memory_space<hbm>>
    tpu.enqueue_indirect_dma source(%dma_start3A_354 : memref<10000x128xf32, #tpu.memory_space<hbm>>) target(%arg8 : memref<128x128xf32, #tpu.memory_space<vmem>>) offsets(%dma_start3A_351 : memref<128xi32, #tpu.memory_space<vmem>>) semaphore(%arg11 : memref<!tpu.dma_semaphore, #tpu.memory_space<semaphore_mem>>)
    %dma_wait3A_355 = arith.constant 0 : i32
    %dma_wait3A_356 = arith.constant 0 : i32
    %dma_wait3A_357 = arith.constant 0 : i32
    %dma_wait3A_358 = tpu.memref_slice %arg5[%dma_wait3A_355, %dma_wait3A_356, %dma_wait3A_357] : memref<6x2x128xi32, #tpu.memory_space<vmem>> -> memref<1x1x128xi32, #tpu.memory_space<vmem>>
    %dma_wait3A_359 = tpu.memref_squeeze %dma_wait3A_358 : memref<1x1x128xi32, #tpu.memory_space<vmem>> -> memref<128xi32, #tpu.memory_space<vmem>>
    %dma_wait3A_360 = arith.constant 0 : i32
    %dma_wait3A_361 = arith.constant 0 : i32
    %dma_wait3A_362 = tpu.memref_slice %arg2[%dma_wait3A_360, %dma_wait3A_361] : memref<10000x128xf32, #tpu.memory_space<hbm>> -> memref<10000x128xf32, #tpu.memory_space<hbm>>
    tpu.wait_indirect_dma semaphore(%arg11 : memref<!tpu.dma_semaphore, #tpu.memory_space<semaphore_mem>>) src(%dma_wait3A_362 : memref<10000x128xf32, #tpu.memory_space<hbm>>) dst(%arg7 : memref<128x128xf32, #tpu.memory_space<vmem>>)
    %dma_start3A_363 = arith.constant 4 : i32
    %dma_start3A_364 = arith.constant 1 : i32
    %dma_start3A_365 = arith.constant 0 : i32
    %dma_start3A_366 = tpu.memref_slice %arg5[%dma_start3A_363, %dma_start3A_364, %dma_start3A_365] : memref<6x2x128xi32, #tpu.memory_space<vmem>> -> memref<1x1x128xi32, #tpu.memory_space<vmem>>
    %dma_start3A_367 = tpu.memref_squeeze %dma_start3A_366 : memref<1x1x128xi32, #tpu.memory_space<vmem>> -> memref<128xi32, #tpu.memory_space<vmem>>
    %dma_start3A_368 = arith.constant 0 : i32
    %dma_start3A_369 = arith.constant 0 : i32
    %dma_start3A_370 = tpu.memref_slice %arg9[%dma_start3A_368, %dma_start3A_369] : memref<10000x128xf32, #tpu.memory_space<vmem_shared>> -> memref<10000x128xf32, #tpu.memory_space<vmem_shared>>
    tpu.enqueue_indirect_dma source(%arg7 : memref<128x128xf32, #tpu.memory_space<vmem>>) target(%dma_start3A_370 : memref<10000x128xf32, #tpu.memory_space<vmem_shared>>) offsets(%dma_start3A_367 : memref<128xi32, #tpu.memory_space<vmem>>) semaphore(%arg12 : memref<!tpu.dma_semaphore, #tpu.memory_space<semaphore_mem>>) {add = true}
    %dma_wait3A_371 = arith.constant 0 : i32
    %dma_wait3A_372 = arith.constant 1 : i32
    %dma_wait3A_373 = arith.constant 0 : i32
    %dma_wait3A_374 = tpu.memref_slice %arg5[%dma_wait3A_371, %dma_wait3A_372, %dma_wait3A_373] : memref<6x2x128xi32, #tpu.memory_space<vmem>> -> memref<1x1x128xi32, #tpu.memory_space<vmem>>
    %dma_wait3A_375 = tpu.memref_squeeze %dma_wait3A_374 : memref<1x1x128xi32, #tpu.memory_space<vmem>> -> memref<128xi32, #tpu.memory_space<vmem>>
    %dma_wait3A_376 = arith.constant 0 : i32
    %dma_wait3A_377 = arith.constant 0 : i32
    %dma_wait3A_378 = tpu.memref_slice %arg9[%dma_wait3A_376, %dma_wait3A_377] : memref<10000x128xf32, #tpu.memory_space<vmem_shared>> -> memref<10000x128xf32, #tpu.memory_space<vmem_shared>>
    tpu.wait_indirect_dma semaphore(%arg12 : memref<!tpu.dma_semaphore, #tpu.memory_space<semaphore_mem>>) src(%arg6 : memref<128x128xf32, #tpu.memory_space<vmem>>) dst(%dma_wait3A_378 : memref<10000x128xf32, #tpu.memory_space<vmem_shared>>)
    %dma_wait3A_379 = arith.constant 0 : i32
    %dma_wait3A_380 = arith.constant 0 : i32
    %dma_wait3A_381 = arith.constant 0 : i32
    %dma_wait3A_382 = tpu.memref_slice %arg5[%dma_wait3A_379, %dma_wait3A_380, %dma_wait3A_381] : memref<6x2x128xi32, #tpu.memory_space<vmem>> -> memref<1x1x128xi32, #tpu.memory_space<vmem>>
    %dma_wait3A_383 = tpu.memref_squeeze %dma_wait3A_382 : memref<1x1x128xi32, #tpu.memory_space<vmem>> -> memref<128xi32, #tpu.memory_space<vmem>>
    %dma_wait3A_384 = arith.constant 0 : i32
    %dma_wait3A_385 = arith.constant 0 : i32
    %dma_wait3A_386 = tpu.memref_slice %arg2[%dma_wait3A_384, %dma_wait3A_385] : memref<10000x128xf32, #tpu.memory_space<hbm>> -> memref<10000x128xf32, #tpu.memory_space<hbm>>
    tpu.wait_indirect_dma semaphore(%arg11 : memref<!tpu.dma_semaphore, #tpu.memory_space<semaphore_mem>>) src(%dma_wait3A_386 : memref<10000x128xf32, #tpu.memory_space<hbm>>) dst(%arg8 : memref<128x128xf32, #tpu.memory_space<vmem>>)
    %dma_start3A_387 = arith.constant 5 : i32
    %dma_start3A_388 = arith.constant 1 : i32
    %dma_start3A_389 = arith.constant 0 : i32
    %dma_start3A_390 = tpu.memref_slice %arg5[%dma_start3A_387, %dma_start3A_388, %dma_start3A_389] : memref<6x2x128xi32, #tpu.memory_space<vmem>> -> memref<1x1x128xi32, #tpu.memory_space<vmem>>
    %dma_start3A_391 = tpu.memref_squeeze %dma_start3A_390 : memref<1x1x128xi32, #tpu.memory_space<vmem>> -> memref<128xi32, #tpu.memory_space<vmem>>
    %dma_start3A_392 = arith.constant 0 : i32
    %dma_start3A_393 = arith.constant 0 : i32
    %dma_start3A_394 = tpu.memref_slice %arg9[%dma_start3A_392, %dma_start3A_393] : memref<10000x128xf32, #tpu.memory_space<vmem_shared>> -> memref<10000x128xf32, #tpu.memory_space<vmem_shared>>
    tpu.enqueue_indirect_dma source(%arg8 : memref<128x128xf32, #tpu.memory_space<vmem>>) target(%dma_start3A_394 : memref<10000x128xf32, #tpu.memory_space<vmem_shared>>) offsets(%dma_start3A_391 : memref<128xi32, #tpu.memory_space<vmem>>) semaphore(%arg12 : memref<!tpu.dma_semaphore, #tpu.memory_space<semaphore_mem>>) {add = true}
    %dma_wait3A_395 = arith.constant 0 : i32
    %dma_wait3A_396 = arith.constant 1 : i32
    %dma_wait3A_397 = arith.constant 0 : i32
    %dma_wait3A_398 = tpu.memref_slice %arg5[%dma_wait3A_395, %dma_wait3A_396, %dma_wait3A_397] : memref<6x2x128xi32, #tpu.memory_space<vmem>> -> memref<1x1x128xi32, #tpu.memory_space<vmem>>
    %dma_wait3A_399 = tpu.memref_squeeze %dma_wait3A_398 : memref<1x1x128xi32, #tpu.memory_space<vmem>> -> memref<128xi32, #tpu.memory_space<vmem>>
    %dma_wait3A_400 = arith.constant 0 : i32
    %dma_wait3A_401 = arith.constant 0 : i32
    %dma_wait3A_402 = tpu.memref_slice %arg9[%dma_wait3A_400, %dma_wait3A_401] : memref<10000x128xf32, #tpu.memory_space<vmem_shared>> -> memref<10000x128xf32, #tpu.memory_space<vmem_shared>>
    tpu.wait_indirect_dma semaphore(%arg12 : memref<!tpu.dma_semaphore, #tpu.memory_space<semaphore_mem>>) src(%arg6 : memref<128x128xf32, #tpu.memory_space<vmem>>) dst(%dma_wait3A_402 : memref<10000x128xf32, #tpu.memory_space<vmem_shared>>)
    %dma_wait3A_403 = arith.constant 0 : i32
    %dma_wait3A_404 = arith.constant 1 : i32
    %dma_wait3A_405 = arith.constant 0 : i32
    %dma_wait3A_406 = tpu.memref_slice %arg5[%dma_wait3A_403, %dma_wait3A_404, %dma_wait3A_405] : memref<6x2x128xi32, #tpu.memory_space<vmem>> -> memref<1x1x128xi32, #tpu.memory_space<vmem>>
    %dma_wait3A_407 = tpu.memref_squeeze %dma_wait3A_406 : memref<1x1x128xi32, #tpu.memory_space<vmem>> -> memref<128xi32, #tpu.memory_space<vmem>>
    %dma_wait3A_408 = arith.constant 0 : i32
    %dma_wait3A_409 = arith.constant 0 : i32
    %dma_wait3A_410 = tpu.memref_slice %arg9[%dma_wait3A_408, %dma_wait3A_409] : memref<10000x128xf32, #tpu.memory_space<vmem_shared>> -> memref<10000x128xf32, #tpu.memory_space<vmem_shared>>
    tpu.wait_indirect_dma semaphore(%arg12 : memref<!tpu.dma_semaphore, #tpu.memory_space<semaphore_mem>>) src(%arg7 : memref<128x128xf32, #tpu.memory_space<vmem>>) dst(%dma_wait3A_410 : memref<10000x128xf32, #tpu.memory_space<vmem_shared>>)
    %lt3A = arith.constant 4 : i32
    %lt3A_411 = arith.cmpi slt, %add3A, %lt3A : i32
    %convert_element_type3A_412 = arith.extui %lt3A_411 : i1 to i32
    %cond3A_413 = arith.constant 0 : i32
    %cond3A_414 = arith.cmpi ne, %convert_element_type3A_412, %cond3A_413 : i32
    scf.if %cond3A_414 {
      %add3A_421 = arith.constant 2496 : i32
      %add3A_422 = arith.addi %add3A_421, %add3A : i32
      %mul3A_423 = arith.constant 128 : i32
      %mul3A_424 = arith.muli %add3A_422, %mul3A_423 : i32
      %run_scoped3A = arith.constant 0 : i32
      "tpu.region"() ({
        %run_scoped3A_457 = tpu.sem_alloc : memref<!tpu.dma_semaphore, #tpu.memory_space<semaphore_mem>>
        %dma_start3A_458 = arith.constant 0 : i32
        %dma_start3A_459 = arith.constant 0 : i32
        %dma_start3A_460 = tpu.memref_slice %arg5[%run_scoped3A, %dma_start3A_458, %dma_start3A_459] : memref<6x2x128xi32, #tpu.memory_space<vmem>> -> memref<1x2x128xi32, #tpu.memory_space<vmem>>
        %dma_start3A_461 = tpu.memref_squeeze %dma_start3A_460 : memref<1x2x128xi32, #tpu.memory_space<vmem>> -> memref<2x128xi32, #tpu.memory_space<vmem>>
        %dma_start3A_462 = arith.constant 0 : i32
        %dma_start3A_463 = tpu.memref_slice %arg3[%dma_start3A_462, %mul3A_424] : memref<2x320000xi32, #tpu.memory_space<hbm>> -> memref<2x128xi32, #tpu.memory_space<hbm>>
        %dma_start3A_464 = arith.constant 0 : i32
        %dma_start3A_465 = arith.constant 0 : i32
        %dma_start3A_466 = tpu.memref_slice %arg5[%run_scoped3A, %dma_start3A_464, %dma_start3A_465] : memref<6x2x128xi32, #tpu.memory_space<vmem>> -> memref<1x2x128xi32, #tpu.memory_space<vmem>>
        %dma_start3A_467 = tpu.memref_squeeze %dma_start3A_466 : memref<1x2x128xi32, #tpu.memory_space<vmem>> -> memref<2x128xi32, #tpu.memory_space<vmem>>
        %dma_start3A_468 = arith.constant 0 : i32
        %dma_start3A_469 = tpu.memref_slice %arg3[%dma_start3A_468, %mul3A_424] : memref<2x320000xi32, #tpu.memory_space<hbm>> -> memref<2x128xi32, #tpu.memory_space<hbm>>
        tpu.enqueue_dma source(%dma_start3A_469 : memref<2x128xi32, #tpu.memory_space<hbm>>) target(%dma_start3A_467 : memref<2x128xi32, #tpu.memory_space<vmem>>) target_semaphore(%run_scoped3A_457 : memref<!tpu.dma_semaphore, #tpu.memory_space<semaphore_mem>>)
        %dma_wait3A_470 = arith.constant 0 : i32
        %dma_wait3A_471 = arith.constant 0 : i32
        %dma_wait3A_472 = tpu.memref_slice %arg5[%run_scoped3A, %dma_wait3A_470, %dma_wait3A_471] : memref<6x2x128xi32, #tpu.memory_space<vmem>> -> memref<1x2x128xi32, #tpu.memory_space<vmem>>
        %dma_wait3A_473 = tpu.memref_squeeze %dma_wait3A_472 : memref<1x2x128xi32, #tpu.memory_space<vmem>> -> memref<2x128xi32, #tpu.memory_space<vmem>>
        %dma_wait3A_474 = arith.constant 0 : i32
        %dma_wait3A_475 = tpu.memref_slice %arg3[%dma_wait3A_474, %mul3A_424] : memref<2x320000xi32, #tpu.memory_space<hbm>> -> memref<2x128xi32, #tpu.memory_space<hbm>>
        %dma_wait3A_476 = arith.constant 0 : i32
        %dma_wait3A_477 = arith.constant 0 : i32
        %dma_wait3A_478 = tpu.memref_slice %arg5[%run_scoped3A, %dma_wait3A_476, %dma_wait3A_477] : memref<6x2x128xi32, #tpu.memory_space<vmem>> -> memref<1x2x128xi32, #tpu.memory_space<vmem>>
        %dma_wait3A_479 = tpu.memref_squeeze %dma_wait3A_478 : memref<1x2x128xi32, #tpu.memory_space<vmem>> -> memref<2x128xi32, #tpu.memory_space<vmem>>
        %dma_wait3A_480 = arith.constant 0 : i32
        %dma_wait3A_481 = tpu.memref_slice %arg3[%dma_wait3A_480, %mul3A_424] : memref<2x320000xi32, #tpu.memory_space<hbm>> -> memref<2x128xi32, #tpu.memory_space<hbm>>
        tpu.wait_dma2 semaphore(%run_scoped3A_457 : memref<!tpu.dma_semaphore, #tpu.memory_space<semaphore_mem>>) src(%dma_wait3A_481 : memref<2x128xi32, #tpu.memory_space<hbm>>) dst(%dma_wait3A_479 : memref<2x128xi32, #tpu.memory_space<vmem>>)
        tpu.yield
      }) : () -> ()
      %dma_start3A_425 = arith.constant 0 : i32
      %dma_start3A_426 = arith.constant 0 : i32
      %dma_start3A_427 = arith.constant 0 : i32
      %dma_start3A_428 = tpu.memref_slice %arg5[%dma_start3A_425, %dma_start3A_426, %dma_start3A_427] : memref<6x2x128xi32, #tpu.memory_space<vmem>> -> memref<1x1x128xi32, #tpu.memory_space<vmem>>
      %dma_start3A_429 = tpu.memref_squeeze %dma_start3A_428 : memref<1x1x128xi32, #tpu.memory_space<vmem>> -> memref<128xi32, #tpu.memory_space<vmem>>
      %dma_start3A_430 = arith.constant 0 : i32
      %dma_start3A_431 = arith.constant 0 : i32
      %dma_start3A_432 = tpu.memref_slice %arg2[%dma_start3A_430, %dma_start3A_431] : memref<10000x128xf32, #tpu.memory_space<hbm>> -> memref<10000x128xf32, #tpu.memory_space<hbm>>
      tpu.enqueue_indirect_dma source(%dma_start3A_432 : memref<10000x128xf32, #tpu.memory_space<hbm>>) target(%arg6 : memref<128x128xf32, #tpu.memory_space<vmem>>) offsets(%dma_start3A_429 : memref<128xi32, #tpu.memory_space<vmem>>) semaphore(%arg11 : memref<!tpu.dma_semaphore, #tpu.memory_space<semaphore_mem>>)
      %dma_wait3A_433 = arith.constant 0 : i32
      %dma_wait3A_434 = arith.constant 0 : i32
      %dma_wait3A_435 = arith.constant 0 : i32
      %dma_wait3A_436 = tpu.memref_slice %arg5[%dma_wait3A_433, %dma_wait3A_434, %dma_wait3A_435] : memref<6x2x128xi32, #tpu.memory_space<vmem>> -> memref<1x1x128xi32, #tpu.memory_space<vmem>>
      %dma_wait3A_437 = tpu.memref_squeeze %dma_wait3A_436 : memref<1x1x128xi32, #tpu.memory_space<vmem>> -> memref<128xi32, #tpu.memory_space<vmem>>
      %dma_wait3A_438 = arith.constant 0 : i32
      %dma_wait3A_439 = arith.constant 0 : i32
      %dma_wait3A_440 = tpu.memref_slice %arg2[%dma_wait3A_438, %dma_wait3A_439] : memref<10000x128xf32, #tpu.memory_space<hbm>> -> memref<10000x128xf32, #tpu.memory_space<hbm>>
      tpu.wait_indirect_dma semaphore(%arg11 : memref<!tpu.dma_semaphore, #tpu.memory_space<semaphore_mem>>) src(%dma_wait3A_440 : memref<10000x128xf32, #tpu.memory_space<hbm>>) dst(%arg6 : memref<128x128xf32, #tpu.memory_space<vmem>>)
      %dma_start3A_441 = arith.constant 0 : i32
      %dma_start3A_442 = arith.constant 1 : i32
      %dma_start3A_443 = arith.constant 0 : i32
      %dma_start3A_444 = tpu.memref_slice %arg5[%dma_start3A_441, %dma_start3A_442, %dma_start3A_443] : memref<6x2x128xi32, #tpu.memory_space<vmem>> -> memref<1x1x128xi32, #tpu.memory_space<vmem>>
      %dma_start3A_445 = tpu.memref_squeeze %dma_start3A_444 : memref<1x1x128xi32, #tpu.memory_space<vmem>> -> memref<128xi32, #tpu.memory_space<vmem>>
      %dma_start3A_446 = arith.constant 0 : i32
      %dma_start3A_447 = arith.constant 0 : i32
      %dma_start3A_448 = tpu.memref_slice %arg9[%dma_start3A_446, %dma_start3A_447] : memref<10000x128xf32, #tpu.memory_space<vmem_shared>> -> memref<10000x128xf32, #tpu.memory_space<vmem_shared>>
      tpu.enqueue_indirect_dma source(%arg6 : memref<128x128xf32, #tpu.memory_space<vmem>>) target(%dma_start3A_448 : memref<10000x128xf32, #tpu.memory_space<vmem_shared>>) offsets(%dma_start3A_445 : memref<128xi32, #tpu.memory_space<vmem>>) semaphore(%arg12 : memref<!tpu.dma_semaphore, #tpu.memory_space<semaphore_mem>>) {add = true}
      %dma_wait3A_449 = arith.constant 0 : i32
      %dma_wait3A_450 = arith.constant 1 : i32
      %dma_wait3A_451 = arith.constant 0 : i32
      %dma_wait3A_452 = tpu.memref_slice %arg5[%dma_wait3A_449, %dma_wait3A_450, %dma_wait3A_451] : memref<6x2x128xi32, #tpu.memory_space<vmem>> -> memref<1x1x128xi32, #tpu.memory_space<vmem>>
      %dma_wait3A_453 = tpu.memref_squeeze %dma_wait3A_452 : memref<1x1x128xi32, #tpu.memory_space<vmem>> -> memref<128xi32, #tpu.memory_space<vmem>>
      %dma_wait3A_454 = arith.constant 0 : i32
      %dma_wait3A_455 = arith.constant 0 : i32
      %dma_wait3A_456 = tpu.memref_slice %arg9[%dma_wait3A_454, %dma_wait3A_455] : memref<10000x128xf32, #tpu.memory_space<vmem_shared>> -> memref<10000x128xf32, #tpu.memory_space<vmem_shared>>
      tpu.wait_indirect_dma semaphore(%arg12 : memref<!tpu.dma_semaphore, #tpu.memory_space<semaphore_mem>>) src(%arg6 : memref<128x128xf32, #tpu.memory_space<vmem>>) dst(%dma_wait3A_456 : memref<10000x128xf32, #tpu.memory_space<vmem_shared>>)
    } else {
    }
    %barrier3A_415 = arith.constant 0 : index
    tpu.barrier barrier_id(%barrier3A_415)
    "tpu.region"() ({
      %run_scoped3A = tpu.sem_alloc : memref<!tpu.dma_semaphore, #tpu.memory_space<semaphore_mem>>
      %dma_start3A_421 = arith.constant 0 : i32
      %dma_start3A_422 = tpu.memref_slice %arg4[%arg0, %mul3A_2, %dma_start3A_421] : memref<2x10000x128xf32, #tpu.memory_space<hbm>> -> memref<1x624x128xf32, #tpu.memory_space<hbm>>
      %dma_start3A_423 = tpu.memref_squeeze %dma_start3A_422 : memref<1x624x128xf32, #tpu.memory_space<hbm>> -> memref<624x128xf32, #tpu.memory_space<hbm>>
      %dma_start3A_424 = arith.constant 0 : i32
      %dma_start3A_425 = tpu.memref_slice %arg9[%mul3A_2, %dma_start3A_424] : memref<10000x128xf32, #tpu.memory_space<vmem_shared>> -> memref<624x128xf32, #tpu.memory_space<vmem_shared>>
      tpu.enqueue_dma source(%dma_start3A_425 : memref<624x128xf32, #tpu.memory_space<vmem_shared>>) target(%dma_start3A_423 : memref<624x128xf32, #tpu.memory_space<hbm>>) target_semaphore(%run_scoped3A : memref<!tpu.dma_semaphore, #tpu.memory_space<semaphore_mem>>)
      %dma_wait3A_426 = arith.constant 0 : i32
      %dma_wait3A_427 = tpu.memref_slice %arg4[%arg0, %mul3A_2, %dma_wait3A_426] : memref<2x10000x128xf32, #tpu.memory_space<hbm>> -> memref<1x624x128xf32, #tpu.memory_space<hbm>>
      %dma_wait3A_428 = tpu.memref_squeeze %dma_wait3A_427 : memref<1x624x128xf32, #tpu.memory_space<hbm>> -> memref<624x128xf32, #tpu.memory_space<hbm>>
      %dma_wait3A_429 = arith.constant 0 : i32
      %dma_wait3A_430 = tpu.memref_slice %arg9[%mul3A_2, %dma_wait3A_429] : memref<10000x128xf32, #tpu.memory_space<vmem_shared>> -> memref<624x128xf32, #tpu.memory_space<vmem_shared>>
      tpu.wait_dma2 semaphore(%run_scoped3A : memref<!tpu.dma_semaphore, #tpu.memory_space<semaphore_mem>>) src(%dma_wait3A_430 : memref<624x128xf32, #tpu.memory_space<vmem_shared>>) dst(%dma_wait3A_428 : memref<624x128xf32, #tpu.memory_space<hbm>>)
      tpu.yield
    }) : () -> ()
    %eq3A_416 = arith.constant 15 : i32
    %eq3A_417 = arith.cmpi eq, %arg1, %eq3A_416 : i32
    %convert_element_type3A_418 = arith.extui %eq3A_417 : i1 to i32
    %cond3A_419 = arith.constant 0 : i32
    %cond3A_420 = arith.cmpi ne, %convert_element_type3A_418, %cond3A_419 : i32
    scf.if %cond3A_420 {
      "tpu.region"() ({
        %run_scoped3A = tpu.sem_alloc : memref<!tpu.dma_semaphore, #tpu.memory_space<semaphore_mem>>
        %dma_start3A_421 = arith.constant 9984 : i32
        %dma_start3A_422 = arith.constant 0 : i32
        %dma_start3A_423 = tpu.memref_slice %arg4[%arg0, %dma_start3A_421, %dma_start3A_422] : memref<2x10000x128xf32, #tpu.memory_space<hbm>> -> memref<1x16x128xf32, #tpu.memory_space<hbm>>
        %dma_start3A_424 = tpu.memref_squeeze %dma_start3A_423 : memref<1x16x128xf32, #tpu.memory_space<hbm>> -> memref<16x128xf32, #tpu.memory_space<hbm>>
        %dma_start3A_425 = arith.constant 9984 : i32
        %dma_start3A_426 = arith.constant 0 : i32
        %dma_start3A_427 = tpu.memref_slice %arg9[%dma_start3A_425, %dma_start3A_426] : memref<10000x128xf32, #tpu.memory_space<vmem_shared>> -> memref<16x128xf32, #tpu.memory_space<vmem_shared>>
        tpu.enqueue_dma source(%dma_start3A_427 : memref<16x128xf32, #tpu.memory_space<vmem_shared>>) target(%dma_start3A_424 : memref<16x128xf32, #tpu.memory_space<hbm>>) target_semaphore(%run_scoped3A : memref<!tpu.dma_semaphore, #tpu.memory_space<semaphore_mem>>)
        %dma_wait3A_428 = arith.constant 9984 : i32
        %dma_wait3A_429 = arith.constant 0 : i32
        %dma_wait3A_430 = tpu.memref_slice %arg4[%arg0, %dma_wait3A_428, %dma_wait3A_429] : memref<2x10000x128xf32, #tpu.memory_space<hbm>> -> memref<1x16x128xf32, #tpu.memory_space<hbm>>
        %dma_wait3A_431 = tpu.memref_squeeze %dma_wait3A_430 : memref<1x16x128xf32, #tpu.memory_space<hbm>> -> memref<16x128xf32, #tpu.memory_space<hbm>>
        %dma_wait3A_432 = arith.constant 9984 : i32
        %dma_wait3A_433 = arith.constant 0 : i32
        %dma_wait3A_434 = tpu.memref_slice %arg9[%dma_wait3A_432, %dma_wait3A_433] : memref<10000x128xf32, #tpu.memory_space<vmem_shared>> -> memref<16x128xf32, #tpu.memory_space<vmem_shared>>
        tpu.wait_dma2 semaphore(%run_scoped3A : memref<!tpu.dma_semaphore, #tpu.memory_space<semaphore_mem>>) src(%dma_wait3A_434 : memref<16x128xf32, #tpu.memory_space<vmem_shared>>) dst(%dma_wait3A_431 : memref<16x128xf32, #tpu.memory_space<hbm>>)
        tpu.yield
      }) : () -> ()
    } else {
    }
    return
  }
}

module attributes {stable_mosaic.version = 14 : i64} {
  func.func @_combine_body(%arg0: i32, %arg1: memref<1x2000x128xf32, #tpu.memory_space<vmem>>, %arg2: memref<1x2000x128xf32, #tpu.memory_space<vmem>>, %arg3: memref<2000x128xf32, #tpu.memory_space<vmem>>, %arg4: memref<2000x128xf32, #tpu.memory_space<vmem>>) attributes {dimension_semantics = [#tpu.dimension_semantics<arbitrary>], iteration_bounds = array<i64: 5>, scalar_prefetch = 0 : i64, scratch_operands = 0 : i64, tpu.core_type = #tpu.core_type<tc>, window_params = [{transform_indices = @transform_0, window_bounds = array<i64: 1, 2000, 128>}, {transform_indices = @transform_1, window_bounds = array<i64: 1, 2000, 128>}, {transform_indices = @transform_2, window_bounds = array<i64: 2000, 128>}, {transform_indices = @transform_3, window_bounds = array<i64: 2000, 128>}]} {
    %get3A = arith.constant 0 : index
    %get3A_0 = arith.constant 0 : index
    %get3A_1 = arith.constant 0 : index
    %get3A_2 = vector.load %arg1[%get3A, %get3A_0, %get3A_1] : memref<1x2000x128xf32, #tpu.memory_space<vmem>>, vector<1x2000x128xf32>
    %get3A_3 = vector.shape_cast %get3A_2 : vector<1x2000x128xf32> to vector<2000x128xf32>
    %get3A_4 = arith.constant 0 : index
    %get3A_5 = arith.constant 0 : index
    %get3A_6 = arith.constant 0 : index
    %get3A_7 = vector.load %arg2[%get3A_4, %get3A_5, %get3A_6] : memref<1x2000x128xf32, #tpu.memory_space<vmem>>, vector<1x2000x128xf32>
    %get3A_8 = vector.shape_cast %get3A_7 : vector<1x2000x128xf32> to vector<2000x128xf32>
    %add3A = arith.addf %get3A_3, %get3A_8 : vector<2000x128xf32>
    %get3A_9 = arith.constant 0 : index
    %get3A_10 = arith.constant 0 : index
    %get3A_11 = vector.load %arg3[%get3A_9, %get3A_10] : memref<2000x128xf32, #tpu.memory_space<vmem>>, vector<2000x128xf32>
    %sub3A = arith.subf %add3A, %get3A_11 : vector<2000x128xf32>
    %swap3A = arith.constant 0 : index
    %swap3A_12 = arith.constant 0 : index
    %swap3A_13 = vector.load %arg4[%swap3A, %swap3A_12] : memref<2000x128xf32, #tpu.memory_space<vmem>>, vector<2000x128xf32>
    tpu.vector_store %arg4[%swap3A, %swap3A_12], %sub3A {strides = array<i32>} : memref<2000x128xf32, #tpu.memory_space<vmem>>, vector<2000x128xf32>,
    return
  }
  func.func @transform_0(%arg0: i32) -> (i32, i32, i32) {
    %c0_i32 = arith.constant 0 : i32
    %c0_i32_0 = arith.constant 0 : i32
    %c0_i32_1 = arith.constant 0 : i32
    return %c0_i32, %arg0, %c0_i32_0 : i32, i32, i32
  }
  func.func @transform_1(%arg0: i32) -> (i32, i32, i32) {
    %c1_i32 = arith.constant 1 : i32
    %c0_i32 = arith.constant 0 : i32
    %c0_i32_0 = arith.constant 0 : i32
    return %c1_i32, %arg0, %c0_i32 : i32, i32, i32
  }
  func.func @transform_2(%arg0: i32) -> (i32, i32) {
    %c0_i32 = arith.constant 0 : i32
    %c0_i32_0 = arith.constant 0 : i32
    return %arg0, %c0_i32 : i32, i32
  }
  func.func @transform_3(%arg0: i32) -> (i32, i32) {
    %c0_i32 = arith.constant 0 : i32
    %c0_i32_0 = arith.constant 0 : i32
    return %arg0, %c0_i32 : i32, i32
  }
}

module attributes {stable_mosaic.version = 14 : i64} {
  func.func @_matmul_body(%arg0: i32, %arg1: memref<2000x128xf32, #tpu.memory_space<vmem>>, %arg2: memref<128x128xf32, #tpu.memory_space<vmem>>, %arg3: memref<1x128xf32, #tpu.memory_space<vmem>>, %arg4: memref<2000x128xf32, #tpu.memory_space<vmem>>) attributes {dimension_semantics = [#tpu.dimension_semantics<arbitrary>], iteration_bounds = array<i64: 5>, scalar_prefetch = 0 : i64, scratch_operands = 0 : i64, tpu.core_type = #tpu.core_type<tc>, window_params = [{transform_indices = @transform_0, window_bounds = array<i64: 2000, 128>}, {pipeline_mode = #tpu.pipeline_mode<synchronous>, transform_indices = @transform_1, window_bounds = array<i64: 128, 128>}, {pipeline_mode = #tpu.pipeline_mode<synchronous>, transform_indices = @transform_2, window_bounds = array<i64: 1, 128>}, {transform_indices = @transform_3, window_bounds = array<i64: 2000, 128>}]} {
    %get3A = arith.constant 0 : index
    %get3A_0 = arith.constant 0 : index
    %get3A_1 = vector.load %arg1[%get3A, %get3A_0] : memref<2000x128xf32, #tpu.memory_space<vmem>>, vector<2000x128xf32>
    %get3A_2 = arith.constant 0 : index
    %get3A_3 = arith.constant 0 : index
    %get3A_4 = vector.load %arg2[%get3A_2, %get3A_3] : memref<128x128xf32, #tpu.memory_space<vmem>>, vector<128x128xf32>
    %dot_general3A = arith.constant dense<0.000000e+00> : vector<2000x128xf32>
    %dot_general3A_5 = tpu.matmul %get3A_1, %get3A_4, %dot_general3A {dimension_numbers = #tpu.dot_dimension_numbers<[1], [1], [0], [0], [0, 0, 1, 0], [], []>, transpose_lhs_hint = false} : vector<2000x128xf32>, vector<128x128xf32>, vector<2000x128xf32> -> vector<2000x128xf32>
    %get3A_6 = arith.constant 0 : index
    %get3A_7 = arith.constant 0 : index
    %get3A_8 = vector.load %arg3[%get3A_6, %get3A_7] : memref<1x128xf32, #tpu.memory_space<vmem>>, vector<1x128xf32>
    %add3A = vector.broadcast %get3A_8 : vector<1x128xf32> to vector<2000x128xf32>
    %add3A_9 = arith.addf %dot_general3A_5, %add3A : vector<2000x128xf32>
    %swap3A = arith.constant 0 : index
    %swap3A_10 = arith.constant 0 : index
    %swap3A_11 = vector.load %arg4[%swap3A, %swap3A_10] : memref<2000x128xf32, #tpu.memory_space<vmem>>, vector<2000x128xf32>
    tpu.vector_store %arg4[%swap3A, %swap3A_10], %add3A_9 {strides = array<i32>} : memref<2000x128xf32, #tpu.memory_space<vmem>>, vector<2000x128xf32>,
    return
  }
  func.func @transform_0(%arg0: i32) -> (i32, i32) {
    %c0_i32 = arith.constant 0 : i32
    %c0_i32_0 = arith.constant 0 : i32
    return %arg0, %c0_i32 : i32, i32
  }
  func.func @transform_1(%arg0: i32) -> (i32, i32) {
    %c0_i32 = arith.constant 0 : i32
    %c0_i32_0 = arith.constant 0 : i32
    %c0_i32_1 = arith.constant 0 : i32
    return %c0_i32, %c0_i32_0 : i32, i32
  }
  func.func @transform_2(%arg0: i32) -> (i32, i32) {
    %c0_i32 = arith.constant 0 : i32
    %c0_i32_0 = arith.constant 0 : i32
    %c0_i32_1 = arith.constant 0 : i32
    return %c0_i32, %c0_i32_0 : i32, i32
  }
  func.func @transform_3(%arg0: i32) -> (i32, i32) {
    %c0_i32 = arith.constant 0 : i32
    %c0_i32_0 = arith.constant 0 : i32
    return %arg0, %c0_i32 : i32, i32
  }
}

</mosaic_0001>

<sc_bundles>
// kernel: kernel.5.cloned.1.call-start
scs
__scs_entry_jumppad:
0x0: {  	(pc) =	sbr.rel $0x88, $3  }
0x1: {  	(tag) =	ssettag $0x0;
	lr =	simm.s32 $0x1  }
0x2: {  	[smem:$0x3F9D] =	sst lr;
	_ =	strace $0xD0000000  }
0x3: {  	_ = 	snop  }
0x4: {  	_ = 	snop  }
0x5: {  	_ = 	snop  }
0x6: {  	_ = 	snop  }
0x7: {  	_ = 	snop  }
__scs_overlays_trampoline_lowered:
0x8: {  	[smem:$0x3FAC] =	sst s0  }
0x9: {  	[smem:$0x3FAD] =	sst s1  }
0xa: {  	[smem:$0x3FAE] =	sst s2  }
0xb: {  	[smem:$0x3FAF] =	sst s3  }
0xc: {  	[smem:$0x3FB0] =	sst s4  }
0xd: {  	[smem:$0x3FB1] =	sst s5  }
0xe: {  	[smem:$0x3FB2] =	sst s6  }
0xf: {  	[smem:$0x3FB3] =	sst s7  }
0x10: {  	[smem:$0x3FB4] =	sst s8  }
0x11: {  	[smem:$0x3FB5] =	sst s9;
	s0 =	simm.s32 @!p0 $0x0  }
0x12: {  	s1 =	sld [smem:$0x3F9B];
	s0 =	simm.s32 @p0 $0x1  }
0x13: {  	[smem:$0x3FB6] =	sst s0;
	s0 =	simm.s32 @!p1 $0x0  }
0x14: {  	s2 =	sld [smem:$0x3F9A];
	s0 =	simm.s32 @p1 $0x1  }
0x15: {  	[smem:$0x3FB7] =	sst s0;
	s0 =	simm.s32 @!p2 $0x0  }
0x16: {  	s3 =	sld [smem:$0x3FDB];
	s0 =	simm.s32 @p2 $0x1  }
0x17: {  	s4 =	simm.s32 $0x1BF5;
	[smem:$0x3FB9] =	sst s0  }
0x18: {  	s0 =	sld [smem:$0x3F9C];
	_ =	swait.ge [sflag:s4], $0x0  }
0x19: {  	s7 =	sld [smem:$0x3F9D]  }
0x1a: {  	s8 =	sadd.s32 $0xFFFFE003, lr  }
0x1b: {  	s9 =	sadd.s32 $0xFFFFFEF7, lr;
	s5 =	simm.s32 $0xFFFFFFFF;
	p2 =	slt.u32 s8, $0xFFFFF086  }
0x1c: {  	p1 =	slt.u32 s9, $0xF7A;
	s5 =	simm.s32 @!p2 $0x0  }
0x1d: {  	s5 =	simm.s32 @p1 $0x1;
	p0 =	seq.s32 s7, s2  }
0x1e: {  	s7 =	smul.u32 @!p0 $0xF7A, s2;
	p2 =	seq.s32 @!p0 s5, $0x0  }
0x1f: {  	s9 =	smul.u32 $0xF7A, s1;
	s8 =	simm.s32 @!p0 $0x1BF5;
	p2 =	por !p2, p0  }
0x20: {  	[sflag:s8] =	ssyncset.s32 @!p0 $0xFFFFF086;
	s6 =	sadd.s32 @!p0 s3, s7;
	s7 =	simm.s32 @!p0 $0x108  }
0x21: {  	s3 =	sadd.s32 s3, s9;
	s6 =	sadd.s32 @!p0 $0x88, s6;
	s7 =	simm.s32 @p2 $0x1082  }
0x22: {  	[simem:s7], [sflag:s8] =	dma.local @!p0 [hbm:s6], $0xF7A  }
0x23: {  	s9 =	sor.u32 $0xD0000000, s2;
	s6 =	simm.s32 $0x108;
	_ =	swait.ge @!p0 [sflag:s8], $0x0  }
0x24: {  	s3 =	sadd.s32 $0x88, s3;
	s6 =	simm.s32 @!p1 $0x1082;
	[sflag:s4] =	ssyncset.s32 $0xFFFFF086  }
0x25: {  	[simem:s6], [sflag:s4] =	dma.local [hbm:s3], $0xF7A  }
0x26: {  	[smem:$0x3F9D] =	sst s1;
	(tag) =	ssettag s2;
	_ =	strace s9  }
0x27: {  	s1 =	sld [smem:$0x3FAD]  }
0x28: {  	s2 =	sld [smem:$0x3FAE]  }
0x29: {  	s4 =	sld [smem:$0x3FB0]  }
0x2a: {  	p0 =	seq.s32 s5, $0x0;
	s5 =	sld [smem:$0x3FB1]  }
0x2b: {  	s6 =	sld [smem:$0x3FB2]  }
0x2c: {  	s7 =	sld [smem:$0x3FB3]  }
0x2d: {  	s3 =	simm.s32 $0x108;
	s8 =	sld [smem:$0x3FB4]  }
0x2e: {  	s3 =	simm.s32 @!p0 $0x1082;
	s9 =	sld [smem:$0x3FB5]  }
0x2f: {  	lr =	sadd.s32 s0, s3;
	s0 =	sld [smem:$0x3FAC]  }
0x30: {  	s3 =	sld [smem:$0x3FAF]  }
0x31: {  	[smem:$0x3FB8] =	sst s10  }
0x32: {  	s10 =	sld [smem:$0x3FB6];
	_ =	sdelay $0x3  }
0x33: {  	p0 =	seq.s32 s10, $0x1;
	s10 =	sld [smem:$0x3FB8];
	_ =	sdelay $0x3  }
0x34: {  	[smem:$0x3FB8] =	sst s10  }
0x35: {  	s10 =	sld [smem:$0x3FB7];
	_ =	sdelay $0x3  }
0x36: {  	p1 =	seq.s32 s10, $0x1;
	s10 =	sld [smem:$0x3FB8];
	_ =	sdelay $0x3  }
0x37: {  	[smem:$0x3FB8] =	sst s10  }
0x38: {  	s10 =	sld [smem:$0x3FB9]  }
0x39: {  	_ = 	snop;
	(pc) =	sbr.ind lr, $3  }
0x3a: {  	_ = 	snop  }
0x3b: {  	_ = 	snop  }
0x3c: {  	p2 =	seq.s32 s10, $0x1;
	s10 =	sld [smem:$0x3FB8]  }
0x3d: {  	_ =	shalt  }
0x3e: {  	_ =	shalt  }
0x3f: {  	_ =	shalt  }
0x40: {  	_ =	shalt  }
0x41: {  	_ =	shalt  }
0x42: {  	_ =	shalt  }
0x43: {  	_ =	shalt  }
0x44: {  	_ =	shalt  }
0x45: {  	_ =	shalt  }
0x46: {  	_ =	shalt  }
0x47: {  	_ =	shalt  }
0x48: {  	_ =	shalt  }
0x49: {  	_ =	shalt  }
0x4a: {  	_ =	shalt  }
0x4b: {  	_ =	shalt  }
0x4c: {  	_ =	shalt  }
0x4d: {  	_ =	shalt  }
0x4e: {  	_ =	shalt  }
0x4f: {  	_ =	shalt  }
0x50: {  	_ =	shalt  }
0x51: {  	_ =	shalt  }
0x52: {  	_ =	shalt  }
0x53: {  	_ =	shalt  }
0x54: {  	_ =	shalt  }
0x55: {  	_ =	shalt  }
0x56: {  	_ =	shalt  }
0x57: {  	_ =	shalt  }
0x58: {  	_ =	shalt  }
0x59: {  	_ =	shalt  }
0x5a: {  	_ =	shalt  }
0x5b: {  	_ =	shalt  }
0x5c: {  	_ =	shalt  }
0x5d: {  	_ =	shalt  }
0x5e: {  	_ =	shalt  }
0x5f: {  	_ =	shalt  }
0x60: {  	_ =	shalt  }
0x61: {  	_ =	shalt  }
0x62: {  	_ =	shalt  }
0x63: {  	_ =	shalt  }
0x64: {  	_ =	shalt  }
0x65: {  	_ =	shalt  }
0x66: {  	_ =	shalt  }
0x67: {  	_ =	shalt  }
0x68: {  	_ =	shalt  }
0x69: {  	_ =	shalt  }
0x6a: {  	_ =	shalt  }
0x6b: {  	_ =	shalt  }
0x6c: {  	_ =	shalt  }
0x6d: {  	_ =	shalt  }
0x6e: {  	_ =	shalt  }
0x6f: {  	_ =	shalt  }
0x70: {  	_ =	shalt  }
0x71: {  	_ =	shalt  }
0x72: {  	_ =	shalt  }
0x73: {  	_ =	shalt  }
0x74: {  	_ =	shalt  }
0x75: {  	_ =	shalt  }
0x76: {  	_ =	shalt  }
0x77: {  	_ =	shalt  }
0x78: {  	_ =	shalt  }
0x79: {  	_ =	shalt  }
0x7a: {  	_ =	shalt  }
0x7b: {  	_ =	shalt  }
0x7c: {  	_ =	shalt  }
0x7d: {  	_ =	shalt  }
0x7e: {  	_ =	shalt  }
0x7f: {  	_ =	shalt  }
0x80: {  	_ =	shalt  }
0x81: {  	_ =	shalt  }
0x82: {  	_ =	shalt  }
0x83: {  	_ =	shalt  }
0x84: {  	_ =	shalt  }
0x85: {  	_ =	shalt  }
0x86: {  	_ =	shalt  }
0x87: {  	_ =	shalt  }
.Lfunc_end0:
.L_simem_size_0:
called_computation_lowered:
.L_overlay_start_0:
0x88: {  	s2 =	sld [smem:$0x3FD9]  }
0x89: {  	s3 =	sld [smem:$0x3FFE];
	_ =	sdelay $0x1  }
0x8a: {  	s1 =	srdreg.scid  }
0x8b: {  	s0 =	sand.u32 $0x1, s1  }
0x8c: {  	s17 =	sshll.u32 s0, $0xA;
	s2 =	sadd.s32 s3, s2  }
0x8d: {  	s2 =	sadd.s32 s2, s17  }
0x8e: {  	[smem:$0x3FC4] =	sst s2  }
0x8f: {  	_ = 	snop  }
0x90: {  	s2 =	sld [smem:$0x3FC8]  }
0x91: {  	s18 =	sld [smem:$0x3FD0];
	(tm) =	ssettm $0x1  }
0x92: {  	s4 =	sld [smem:$0x3FFB];
	_ =	sdelay $0x3  }
0x93: {  	_ =	strace s4  }
0x94: {  	s4 =	sld [smem:$0x3FFC];
	_ =	sdelay $0x3  }
0x95: {  	_ =	strace s4  }
0x96: {  	s4 =	sld [smem:$0x3FFD];
	_ =	sdelay $0x3  }
0x97: {  	_ =	strace s4  }
0x98: {  	_ =	strace $0x8FFFFFFF  }
0x99: {  	s19 =	sld [smem:$0x3FDB];
	_ =	sdelay $0x1  }
0x9a: {  	s5 =	simm.s32 $_scs_section_size  }
0x9b: {  	s6 =	simm.s32 $_size__tile_overlayer_lowered;
	s7 =	simm.s32 $_tile_overlayer_lowered  }
0x9c: {  	s22 =	simm.s32 $0x1BFF;
	s21 =	sshll.u32 s7, $0x1;
	s4 =	sadd.s32 s5, s19  }
0x9d: {  	s8 =	simm.s32 $0x0;
	s20 =	sshll.u32 s6, $0x1;
	s6 =	sadd.s32 s21, s4  }
0x9e: {  	[timem:s8], [sflag:s22] =	dma.local [hbm:s6], s20  }
0x9f: {  	_ =	swait.ge [sflag:s22], s20  }
0xa0: {  	s5 =	ssub.s32 $0x0, s20;
	[sflag:s22] =	ssyncset.done $0x0  }
0xa1: {  	[sflag:s22] =	ssyncadd.s32 s5;
	_ =	sdelay $0x1  }
0xa2: {  	s23 =	simm.s32 $0x1B8B  }
0xa3: {  	_ =	swait.ge [sflag:s23], $0x1  }
0xa4: {  	[sflag:s23] =	ssyncset.done $0x0  }
0xa5: {  	s25 =	simm.s32 $0x1B8E;
	s24 =	sld [smem:$0x3FFE];
	[sflag:s23] =	ssyncadd.s32 $0xFFFFFFFF  }
0xa6: {  	s26 =	simm.s32 $execute0_lowered;
	[smem:$0x3FD2] =	sst s25  }
0xa7: {  	s6 =	sshll.u32 s26, $0x1;
	_ =	strace $0x80000046;
	[dreg:$0x1] =	wrdreg $0xFFFFFFFF  }
0xa8: {  	s28 =	simm.s32 $_size_execute0_lowered;
	s4 =	sadd.s32 s4, s6;
	[dreg:$0x0] =	wrdreg $0x0  }
0xa9: {  	s6 =	sshll.u32 s28, $0x1;
	[dreg:$0x2] =	wrdreg s4  }
0xaa: {  	[dreg:$0x3] =	wrdreg s6  }
0xab: {  	[dreg:$0x4] =	wrdreg $0xC0  }
0xac: {  	_ =	task [dreg:s8], $0x5FFFF  }
0xad: {  	[dreg:$0x1] =	wrdreg $0xFFFFFFFF  }
0xae: {  	[dreg:$0x0] =	wrdreg $0x60  }
0xaf: {  	[dreg:$0x2] =	wrdreg s18  }
0xb0: {  	[dreg:$0x3] =	wrdreg s2  }
0xb1: {  	[dreg:$0x4] =	wrdreg s24  }
0xb2: {  	[dreg:$0x5] =	wrdreg $0xC6000  }
0xb3: {  	[dreg:$0x6] =	wrdreg $0x9  }
0xb4: {  	_ =	task.clear_ibuf [dreg:s8], $0x7FFFF;
	_ =	strace $0x90000046  }
0xb5: {  	s29 =	simm.s32 $0x9;
	_ =	strace $0x80000048  }
0xb6: {  	_ =	swait.ge [sflag:s29], $0x1  }
0xb7: {  	[sflag:s29] =	ssyncadd.s32 $0xFFFFFFFF  }
0xb8: {  	_ =	strace $0x90000048  }
0xb9: {  	_ =	sfence  }
0xba: {  	s30 =	sld [smem:$0x0];
	_ =	sdelay $0x2  }
0xbb: {  	s31 =	sshll.u32 s1, $0xD;
	s1 =	sshrl.u32 s1, $0x2  }
0xbc: {  	s3 =	sand.u32 $0x4000, s31;
	s1 =	sadd.s32 s1, s30  }
0xbd: {  	s0 =	sor.u32 s3, s0;
	s1 =	sshll.u32 s1, $0x11  }
0xbe: {  	s0 =	sor.u32 s1, s0  }
0xbf: {  	s0 =	sadd.s32 $0x8F2B, s0  }
0xc0: {  	[sflag:s0] =	ssyncadd.remote.s32 $0x1  }
0xc1: {  	_ =	sfence.sel $0xFFFF  }
0xc2: {  	[dreg:$0x0] =	wrdreg $0xFFFFFFFF;
	(pc) =	sbr.abs _section_cstart, $3  }
0xc3: {  	[dreg:$0x1] =	wrdreg $0xFFFFFFFF  }
0xc4: {  	_ =	task.clear_ibuf [dreg:s8], $0x2FFFF;
	_ =	strace $0x9FFFFFFF  }
0xc5: {  	(tm) =	ssettm $0x7FFFFFFF  }
tec
execute0_lowered:
.L_overlay_start_1:
0x0: {  	(tag) =	ssettag $0x1  }
0x1: {  	s1 =	rddreg [dreg:$0x0]  }
0x2: {  	s0 =	rddreg [dreg:$0x1]  }
0x3: {  	s2 =	rddreg [dreg:$0x2]  }
0x4: {  	s4 =	srdreg.scid;
	s14 =	stileid.u32  }
0x5: {  	s3 =	rddreg [dreg:$0x3];
	s28 =	simm.s32 $0x1;
	s29 =	simm.s32 $0x80  }
0x6: {  	s30 =	simm.s32 $0x600;
	s31 =	simm.s32 $0x400;
	s5 =	sand.u32 $0x1, s4  }
0x7: {  	s20 =	sshll.u32 s14, $0x1;
	s4 =	simm.s32 $0x0;
	s23 =	smul.u32 $0x4E000, s14  }
0x8: {  	s2 =	sadd.s32 $0x1000, s2;
	s12 =	sadd.s32 $0x20, s0;
	s13 =	smul.u32 $0x13800, s14  }
0x9: {  	s15 =	sshll.u32 s14, $0x6;
	s16 =	smul.u32 $0x9C, s14;
	s17 =	sadd.s32 $0x138000, s3  }
0xa: {  	p0 =	sne.s32 s14, $0xF;
	p1 =	sgt.u32 s14, $0x1;
	s18 =	smul.u32 $0x4E, s5  }
0xb: {  	s6 =	sor.u32 s5, s20;
	s7 =	ssub.s32 $0x2, s5;
	s5 =	smul.u32 $0x138800, s5  }
0xc: {  	s14 =	simm.s32 $0x0;
	[smem:$0x7FF] =	sst s4;
	s8 =	smul.u32 $0x9C0, s6  }
0xd: {  	s9 =	sshrl.u32 s7, $0x1;
	s10 =	smul.u32 $0x4E00, s6;
	_ =	strace $0x80000047  }
0xe: {  	s25 =	sshrl.u32 s23, $0x2;
	s11 =	sshrl.u32 s13, $0x3;
	[dreg:$0xe] =	wrdreg s17  }
0xf: {  	s6 =	sshll.u32 s6, $0x5;
	s17 =	simm.s32 $0x4;
	s7 =	ssub.s32 s7, s9  }
0x10: {  	s6 =	sadd.s32 s6, s0;
	s20 =	sadd.s32 s13, s5;
	s21 =	sadd.s32 s0, s8  }
0x11: {  	s5 =	sshrl.u32 s5, $0x3;
	s8 =	sadd.s32 s8, s12;
	[dreg:$0x8] =	wrdreg s21  }
0x12: {  	s22 =	sshrl.u32 s10, $0x3;
	s6 =	sadd.s32 $0x13800, s6;
	[dreg:$0x9] =	wrdreg s8  }
0x13: {  	s9 =	sadd.s32 s0, s22;
	s8 =	sadd.s32 s25, s3;
	[dreg:$0x12] =	wrdreg s6  }
0x14: {  	s13 =	simm.s32 $0x580;
	s24 =	sadd.s32 $0x40, s9;
	[dreg:$0xc] =	wrdreg s8  }
0x15: {  	s10 =	simm.s32 $0x380;
	s26 =	sadd.s32 $0x60, s9;
	[dreg:$0xa] =	wrdreg s24  }
0x16: {  	s21 =	sshrl.u32 s20, $0x3;
	s8 =	sadd.s32 s1, s11;
	[dreg:$0xb] =	wrdreg s26  }
0x17: {  	s11 =	sor.u32 $0x1C04, s15;
	s15 =	sadd.s32 $0x27000, s1;
	[dreg:$0xd] =	wrdreg s8  }
0x18: {  	s19 =	sadd.s32 $0x980, s9;
	s9 =	sadd.s32 $0x9A0, s9;
	[dreg:$0xf] =	wrdreg s15  }
0x19: {  	s6 =	sadd.s32 s2, s21;
	s2 =	sadd.s32 s2, s5;
	[dreg:$0x10] =	wrdreg s19  }
0x1a: {  	s5 =	simm.s32 $0x500;
	[dreg:$0x11] =	wrdreg s9;
	s8 =	sadd.s32 s18, s16  }
0x1b: {  	[dreg:$0x13] =	wrdreg s6;
	s2 =	sadd.s32 $0x27000, s2;
	s26 =	smax.u32 s7, $0x1  }
0x1c: {  	s6 =	simm.s32 $0x8600;
	s7 =	simm.s32 $0x180;
	[dreg:$0x14] =	wrdreg s2  }
0x1d: {  	s9 =	simm.s32 $0x280;
	s8 =	sshll.u32 s8, $0x5;
	[dreg:$0x15] =	wrdreg s26  }
0x1e: {  	s2 =	simm.s32 $0x4600;
	s22 =	sadd.s32 s12, s8;
	s0 =	sadd.s32 s0, s8  }
0x1f: {  	s8 =	simm.s32 $0x3;
	s12 =	simm.s32 $0x480;
	s23 =	sadd.s32 $0x100, s22  }
0x20: {  	s24 =	sadd.s32 $0x100, s0;
	s25 =	sadd.s32 $0xC0, s22;
	[dreg:$0x5] =	wrdreg s23  }
0x21: {  	s20 =	sadd.s32 $0xC0, s0;
	s21 =	sadd.s32 $0x80, s22;
	[dreg:$0x6] =	wrdreg s24  }
0x22: {  	s22 =	sadd.s32 $0x80, s0;
	s0 =	simm.s32 $0x2;
	[dreg:$0x7] =	wrdreg s25  }
0x23: {  	s23 =	simm.s32 $0x100;
	s24 =	simm.s32 $0x200;
	s25 =	simm.s32 $0x300  }
.LBB2_1:
0x24: {  	s15 =	rddreg [dreg:$0x8]  }
0x25: {  	s19 =	rddreg [dreg:$0x9]  }
0x26: {  	[tilespmem:s4], [sflag:$0x1] =	stream.linear.gather [hbm4b:s15+s4], $0x100, $0x38;
	[tilespmem:$0x1FE80] =	vst v63  }
0x27: {  	s26 =	rddreg [dreg:$0xa]  }
0x28: {  	[tilespmem:s23], [sflag:$0x1] =	stream.linear.gather [hbm4b:s19+s4], $0x100, $0x38;
	[tilespmem:$0x1FE80] =	vst v63  }
0x29: {  	s16 =	rddreg [dreg:$0xb]  }
0x2a: {  	[tilespmem:s24], [sflag:$0x1] =	stream.linear.gather [hbm4b:s26+s4], $0x100, $0x38;
	[tilespmem:$0x1FE80] =	vst v63  }
0x2b: {  	s18 =	rddreg [dreg:$0xc]  }
0x2c: {  	[tilespmem:s25], [sflag:$0x1] =	stream.linear.gather [hbm4b:s16+s4], $0x100, $0x38;
	[tilespmem:$0x1FE80] =	vst v63  }
0x2d: {  	s19 =	rddreg [dreg:$0xd];
	s16 =	sshrl.u32 s18, $0x3  }
0x2e: {  	[dreg:$0x16] =	wrdreg s16  }
0x2f: {  	[spmem:s16], [sflag:s11] =	dma.local [hbm:s19], $0x2700  }
0x30: {  	_ =	swait.ge [sflag:s17], $0x2700  }
0x31: {  	[sflag:s17] =	ssyncset.done $0x0  }
0x32: {  	s15 =	rddreg [dreg:$0xe];
	[sflag:s17] =	ssyncadd.s32 $0xFFFFD900  }
0x33: {  	s16 =	sshrl.u32 @!p0 s15, $0x3;
	s15 =	rddreg [dreg:$0xf];
	s17 =	simm.s32 @!p0 $0x4  }
0x34: {  	[spmem:s16], [sflag:s11] =	dma.local @!p0 [hbm:s15], $0x100  }
0x35: {  	_ =	swait.ge @!p0 [sflag:s17], $0x100  }
0x36: {  	[sflag:s17] =	ssyncset.done @!p0 $0x0  }
0x37: {  	[sflag:s17] =	ssyncadd.s32 @!p0 $0xFFFFFF00  }
0x38: {  	_ =	swait.ge [sflag:s28], $0x100  }
0x39: {  	[sflag:s28] =	ssyncset.done $0x0  }
0x3a: {  	p2 =	por $0x1, $0x1;
	[sflag:s28] =	ssyncadd.s32 $0xFFFFFF00  }
0x3b: {  	[tilespmem:s30], [sflag:$0x2] =	stream.indirect.gather [hbm4b:s1+s29], $0x80, s4, s29, $0xb8;
	[tilespmem:$0x1FE80] =	vst v63  }
0x3c: {  	s17 =	simm.s32 @!p2 $0x3;
	[bflag:$0x0] =	sbarrier.arrive $0xFFFF  }
0x3d: {  	_ =	swait.ge @!p2 [sflag:s17], $0x4000  }
0x3e: {  	[sflag:s17] =	ssyncset.done @!p2 $0x0  }
0x3f: {  	s18 =	sadd.s32 $0x0, s22;
	[sflag:s17] =	ssyncadd.s32 @!p2 $0xFFFFC000  }
0x40: {  	[tilespmem:s31], [sflag:$0x1] =	stream.linear.gather [hbm4b:s18+s4], $0x100, $0x38;
	[tilespmem:$0x1FE80] =	vst v63  }
0x41: {  	_ =	swait.ge [sflag:s28], $0x100  }
0x42: {  	[sflag:s28] =	ssyncset.done $0x0  }
0x43: {  	[sflag:s28] =	ssyncadd.s32 $0xFFFFFF00  }
0x44: {  	[tilespmem:s2], [sflag:$0x2] =	stream.indirect.gather [hbm4b:s1+s29], $0x80, s23, s29, $0xb8;
	[tilespmem:$0x1FE80] =	vst v63  }
0x45: {  	_ =	swait.ge [sflag:s0], $0x4000  }
0x46: {  	[sflag:s0] =	ssyncset.done $0x0  }
0x47: {  	[sflag:s0] =	ssyncadd.s32 $0xFFFFC000  }
0x48: {  	[spmem:s3] =	stream.indirect.scatter.add.f32 [tilespmem:s30], [sflag:$0x3], $0x80, s29, s29, $0xb8;
	[tilespmem:$0x1FE80] =	vst v63  }
0x49: {  	_ =	swait.ge @!p2 [sflag:s17], $0x4000  }
0x4a: {  	[sflag:s17] =	ssyncset.done @!p2 $0x0  }
0x4b: {  	s26 =	sadd.s32 $0x0, s21;
	[sflag:s17] =	ssyncadd.s32 @!p2 $0xFFFFC000  }
0x4c: {  	[tilespmem:s5], [sflag:$0x1] =	stream.linear.gather [hbm4b:s26+s4], $0x100, $0x38;
	[tilespmem:$0x1FE80] =	vst v63  }
0x4d: {  	_ =	swait.ge [sflag:s28], $0x100  }
0x4e: {  	[sflag:s28] =	ssyncset.done $0x0  }
0x4f: {  	[sflag:s28] =	ssyncadd.s32 $0xFFFFFF00  }
0x50: {  	[tilespmem:s6], [sflag:$0x2] =	stream.indirect.gather [hbm4b:s1+s29], $0x80, s24, s29, $0xb8;
	[tilespmem:$0x1FE80] =	vst v63  }
0x51: {  	_ =	swait.ge [sflag:s0], $0x4000  }
0x52: {  	[sflag:s0] =	ssyncset.done $0x0  }
0x53: {  	[sflag:s0] =	ssyncadd.s32 $0xFFFFC000  }
0x54: {  	[spmem:s3] =	stream.indirect.scatter.add.f32 [tilespmem:s2], [sflag:$0x3], $0x80, s7, s29, $0xb8;
	[tilespmem:$0x1FE80] =	vst v63  }
0x55: {  	_ =	swait.ge [sflag:s8], $0x4000  }
0x56: {  	[sflag:s8] =	ssyncset.done $0x0  }
0x57: {  	s15 =	sadd.s32 $0x0, s20;
	[sflag:s8] =	ssyncadd.s32 $0xFFFFC000  }
0x58: {  	[tilespmem:s4], [sflag:$0x1] =	stream.linear.gather [hbm4b:s15+s4], $0x100, $0x38;
	[tilespmem:$0x1FE80] =	vst v63  }
0x59: {  	_ =	swait.ge [sflag:s28], $0x100  }
0x5a: {  	[sflag:s28] =	ssyncset.done $0x0  }
0x5b: {  	[sflag:s28] =	ssyncadd.s32 $0xFFFFFF00  }
0x5c: {  	[tilespmem:s30], [sflag:$0x2] =	stream.indirect.gather [hbm4b:s1+s29], $0x80, s25, s29, $0xb8;
	[tilespmem:$0x1FE80] =	vst v63  }
0x5d: {  	_ =	swait.ge [sflag:s0], $0x4000  }
0x5e: {  	[sflag:s0] =	ssyncset.done $0x0  }
0x5f: {  	[sflag:s0] =	ssyncadd.s32 $0xFFFFC000  }
0x60: {  	[spmem:s3] =	stream.indirect.scatter.add.f32 [tilespmem:s6], [sflag:$0x3], $0x80, s9, s29, $0xb8;
	[tilespmem:$0x1FE80] =	vst v63  }
0x61: {  	_ =	swait.ge [sflag:s8], $0x4000  }
0x62: {  	s18 =	rddreg [dreg:$0x7];
	[sflag:s8] =	ssyncset.done $0x0  }
0x63: {  	[sflag:s8] =	ssyncadd.s32 $0xFFFFC000;
	s17 =	sadd.s32 $0x0, s18  }
0x64: {  	[tilespmem:s23], [sflag:$0x1] =	stream.linear.gather [hbm4b:s17+s4], $0x100, $0x38;
	[tilespmem:$0x1FE80] =	vst v63  }
0x65: {  	_ =	swait.ge [sflag:s28], $0x100  }
0x66: {  	[sflag:s28] =	ssyncset.done $0x0  }
0x67: {  	[sflag:s28] =	ssyncadd.s32 $0xFFFFFF00  }
0x68: {  	[tilespmem:s2], [sflag:$0x2] =	stream.indirect.gather [hbm4b:s1+s29], $0x80, s31, s29, $0xb8;
	[tilespmem:$0x1FE80] =	vst v63  }
0x69: {  	_ =	swait.ge [sflag:s0], $0x4000  }
0x6a: {  	[sflag:s0] =	ssyncset.done $0x0  }
0x6b: {  	[sflag:s0] =	ssyncadd.s32 $0xFFFFC000  }
0x6c: {  	[spmem:s3] =	stream.indirect.scatter.add.f32 [tilespmem:s30], [sflag:$0x3], $0x80, s10, s29, $0xb8;
	[tilespmem:$0x1FE80] =	vst v63  }
0x6d: {  	_ =	swait.ge [sflag:s8], $0x4000  }
0x6e: {  	s19 =	rddreg [dreg:$0x6];
	[sflag:s8] =	ssyncset.done $0x0  }
0x6f: {  	[sflag:s8] =	ssyncadd.s32 $0xFFFFC000;
	s17 =	sadd.s32 $0x0, s19  }
0x70: {  	[tilespmem:s24], [sflag:$0x1] =	stream.linear.gather [hbm4b:s17+s4], $0x100, $0x38;
	[tilespmem:$0x1FE80] =	vst v63  }
0x71: {  	_ =	swait.ge [sflag:s28], $0x100  }
0x72: {  	[sflag:s28] =	ssyncset.done $0x0  }
0x73: {  	[sflag:s28] =	ssyncadd.s32 $0xFFFFFF00  }
0x74: {  	[tilespmem:s6], [sflag:$0x2] =	stream.indirect.gather [hbm4b:s1+s29], $0x80, s5, s29, $0xb8;
	[tilespmem:$0x1FE80] =	vst v63  }
0x75: {  	_ =	swait.ge [sflag:s0], $0x4000  }
0x76: {  	[sflag:s0] =	ssyncset.done $0x0  }
0x77: {  	[sflag:s0] =	ssyncadd.s32 $0xFFFFC000  }
0x78: {  	[spmem:s3] =	stream.indirect.scatter.add.f32 [tilespmem:s2], [sflag:$0x3], $0x80, s12, s29, $0xb8;
	[tilespmem:$0x1FE80] =	vst v63  }
0x79: {  	_ =	swait.ge [sflag:s8], $0x4000  }
0x7a: {  	s26 =	rddreg [dreg:$0x5];
	[sflag:s8] =	ssyncset.done $0x0  }
0x7b: {  	[sflag:s8] =	ssyncadd.s32 $0xFFFFC000;
	s17 =	sadd.s32 $0x0, s26  }
0x7c: {  	[tilespmem:s25], [sflag:$0x1] =	stream.linear.gather [hbm4b:s17+s4], $0x100, $0x38;
	[tilespmem:$0x1FE80] =	vst v63  }
0x7d: {  	_ =	swait.ge [sflag:s28], $0x100  }
0x7e: {  	[sflag:s28] =	ssyncset.done $0x0  }
0x7f: {  	[sflag:s28] =	ssyncadd.s32 $0xFFFFFF00  }
0x80: {  	[tilespmem:s30], [sflag:$0x2] =	stream.indirect.gather [hbm4b:s1+s29], $0x80, s4, s29, $0xb8;
	[tilespmem:$0x1FE80] =	vst v63  }
0x81: {  	p3 =	por $0x0, $0x0;
	_ =	swait.ge [sflag:s0], $0x4000  }
0x82: {  	s18 =	simm.s32 $0x180;
	s17 =	simm.s32 $0xC0;
	[sflag:s0] =	ssyncset.done $0x0  }
.LBB2_2:
0x83: {  	s26 =	simm.s32 @!p3 $0x3;
	[sflag:s0] =	ssyncadd.s32 $0xFFFFC000  }
0x84: {  	[spmem:s3] =	stream.indirect.scatter.add.f32 [tilespmem:s6], [sflag:$0x3], $0x80, s13, s29, $0xb8;
	[tilespmem:$0x1FE80] =	vst v63  }
0x85: {  	_ =	swait.ge @!p3 [sflag:s26], $0x4000  }
0x86: {  	[sflag:s26] =	ssyncset.done @!p3 $0x0  }
0x87: {  	s15 =	sadd.s32 s17, s22;
	[sflag:s26] =	ssyncadd.s32 @!p3 $0xFFFFC000  }
0x88: {  	[tilespmem:s31], [sflag:$0x1] =	stream.linear.gather [hbm4b:s15+s4], $0x100, $0x38;
	[tilespmem:$0x1FE80] =	vst v63  }
0x89: {  	_ =	swait.ge [sflag:s28], $0x100  }
0x8a: {  	[sflag:s28] =	ssyncset.done $0x0  }
0x8b: {  	[sflag:s28] =	ssyncadd.s32 $0xFFFFFF00  }
0x8c: {  	[tilespmem:s2], [sflag:$0x2] =	stream.indirect.gather [hbm4b:s1+s29], $0x80, s23, s29, $0xb8;
	[tilespmem:$0x1FE80] =	vst v63  }
0x8d: {  	_ =	swait.ge [sflag:s0], $0x4000  }
0x8e: {  	[sflag:s0] =	ssyncset.done $0x0  }
0x8f: {  	[sflag:s0] =	ssyncadd.s32 $0xFFFFC000  }
0x90: {  	[spmem:s3] =	stream.indirect.scatter.add.f32 [tilespmem:s30], [sflag:$0x3], $0x80, s29, s29, $0xb8;
	[tilespmem:$0x1FE80] =	vst v63  }
0x91: {  	_ =	swait.ge @!p3 [sflag:s26], $0x4000  }
0x92: {  	[sflag:s26] =	ssyncset.done @!p3 $0x0  }
0x93: {  	[sflag:s26] =	ssyncadd.s32 @!p3 $0xFFFFC000;
	s26 =	sadd.s32 s17, s21  }
0x94: {  	[tilespmem:s5], [sflag:$0x1] =	stream.linear.gather [hbm4b:s26+s4], $0x100, $0x38;
	[tilespmem:$0x1FE80] =	vst v63  }
0x95: {  	_ =	swait.ge [sflag:s28], $0x100  }
0x96: {  	[sflag:s28] =	ssyncset.done $0x0  }
0x97: {  	[sflag:s28] =	ssyncadd.s32 $0xFFFFFF00  }
0x98: {  	[tilespmem:s6], [sflag:$0x2] =	stream.indirect.gather [hbm4b:s1+s29], $0x80, s24, s29, $0xb8;
	[tilespmem:$0x1FE80] =	vst v63  }
0x99: {  	_ =	swait.ge [sflag:s0], $0x4000  }
0x9a: {  	[sflag:s0] =	ssyncset.done $0x0  }
0x9b: {  	[sflag:s0] =	ssyncadd.s32 $0xFFFFC000  }
0x9c: {  	[spmem:s3] =	stream.indirect.scatter.add.f32 [tilespmem:s2], [sflag:$0x3], $0x80, s7, s29, $0xb8;
	[tilespmem:$0x1FE80] =	vst v63  }
0x9d: {  	_ =	swait.ge [sflag:s8], $0x4000  }
0x9e: {  	[sflag:s8] =	ssyncset.done $0x0  }
0x9f: {  	s26 =	sadd.s32 s17, s20;
	[sflag:s8] =	ssyncadd.s32 $0xFFFFC000  }
0xa0: {  	[tilespmem:s4], [sflag:$0x1] =	stream.linear.gather [hbm4b:s26+s4], $0x100, $0x38;
	[tilespmem:$0x1FE80] =	vst v63  }
0xa1: {  	_ =	swait.ge [sflag:s28], $0x100  }
0xa2: {  	[sflag:s28] =	ssyncset.done $0x0  }
0xa3: {  	[sflag:s28] =	ssyncadd.s32 $0xFFFFFF00  }
0xa4: {  	[tilespmem:s30], [sflag:$0x2] =	stream.indirect.gather [hbm4b:s1+s29], $0x80, s25, s29, $0xb8;
	[tilespmem:$0x1FE80] =	vst v63  }
0xa5: {  	_ =	swait.ge [sflag:s0], $0x4000  }
0xa6: {  	[sflag:s0] =	ssyncset.done $0x0  }
0xa7: {  	[sflag:s0] =	ssyncadd.s32 $0xFFFFC000  }
0xa8: {  	[spmem:s3] =	stream.indirect.scatter.add.f32 [tilespmem:s6], [sflag:$0x3], $0x80, s9, s29, $0xb8;
	[tilespmem:$0x1FE80] =	vst v63  }
0xa9: {  	_ =	swait.ge [sflag:s8], $0x4000  }
0xaa: {  	s26 =	rddreg [dreg:$0x7];
	[sflag:s8] =	ssyncset.done $0x0  }
0xab: {  	[sflag:s8] =	ssyncadd.s32 $0xFFFFC000;
	s15 =	sadd.s32 s17, s26  }
0xac: {  	[tilespmem:s23], [sflag:$0x1] =	stream.linear.gather [hbm4b:s15+s4], $0x100, $0x38;
	[tilespmem:$0x1FE80] =	vst v63  }
0xad: {  	_ =	swait.ge [sflag:s28], $0x100  }
0xae: {  	[sflag:s28] =	ssyncset.done $0x0  }
0xaf: {  	[sflag:s28] =	ssyncadd.s32 $0xFFFFFF00  }
0xb0: {  	[tilespmem:s2], [sflag:$0x2] =	stream.indirect.gather [hbm4b:s1+s29], $0x80, s31, s29, $0xb8;
	[tilespmem:$0x1FE80] =	vst v63  }
0xb1: {  	_ =	swait.ge [sflag:s0], $0x4000  }
0xb2: {  	[sflag:s0] =	ssyncset.done $0x0  }
0xb3: {  	[sflag:s0] =	ssyncadd.s32 $0xFFFFC000  }
0xb4: {  	[spmem:s3] =	stream.indirect.scatter.add.f32 [tilespmem:s30], [sflag:$0x3], $0x80, s10, s29, $0xb8;
	[tilespmem:$0x1FE80] =	vst v63  }
0xb5: {  	_ =	swait.ge [sflag:s8], $0x4000  }
0xb6: {  	s26 =	rddreg [dreg:$0x6];
	[sflag:s8] =	ssyncset.done $0x0  }
0xb7: {  	[sflag:s8] =	ssyncadd.s32 $0xFFFFC000;
	s15 =	sadd.s32 s17, s26  }
0xb8: {  	[tilespmem:s24], [sflag:$0x1] =	stream.linear.gather [hbm4b:s15+s4], $0x100, $0x38;
	[tilespmem:$0x1FE80] =	vst v63  }
0xb9: {  	_ =	swait.ge [sflag:s28], $0x100  }
0xba: {  	[sflag:s28] =	ssyncset.done $0x0  }
0xbb: {  	[sflag:s28] =	ssyncadd.s32 $0xFFFFFF00  }
0xbc: {  	[tilespmem:s6], [sflag:$0x2] =	stream.indirect.gather [hbm4b:s1+s29], $0x80, s5, s29, $0xb8;
	[tilespmem:$0x1FE80] =	vst v63  }
0xbd: {  	_ =	swait.ge [sflag:s0], $0x4000  }
0xbe: {  	[sflag:s0] =	ssyncset.done $0x0  }
0xbf: {  	[sflag:s0] =	ssyncadd.s32 $0xFFFFC000  }
0xc0: {  	[spmem:s3] =	stream.indirect.scatter.add.f32 [tilespmem:s2], [sflag:$0x3], $0x80, s12, s29, $0xb8;
	[tilespmem:$0x1FE80] =	vst v63  }
0xc1: {  	_ =	swait.ge [sflag:s8], $0x4000  }
0xc2: {  	s19 =	smov.u32 s18;
	s26 =	rddreg [dreg:$0x5];
	[sflag:s8] =	ssyncset.done $0x0  }
0xc3: {  	s18 =	sadd.s32 $0xC0, s18;
	[sflag:s8] =	ssyncadd.s32 $0xFFFFC000;
	s15 =	sadd.s32 s17, s26  }
0xc4: {  	[tilespmem:s25], [sflag:$0x1] =	stream.linear.gather [hbm4b:s15+s4], $0x100, $0x38;
	[tilespmem:$0x1FE80] =	vst v63  }
0xc5: {  	p2 =	sne.s32 s18, $0x900;
	_ =	swait.ge [sflag:s28], $0x100  }
.Ltmp0:
0xc6: {  	[sflag:s28] =	ssyncset.done $0x0;
	(pc) =	sbr.rel @p2 .LBB2_2-.Ltmp0, $4  }
0xc7: {  	[sflag:s28] =	ssyncadd.s32 $0xFFFFFF00  }
0xc8: {  	[tilespmem:s30], [sflag:$0x2] =	stream.indirect.gather [hbm4b:s1+s29], $0x80, s4, s29, $0xb8;
	[tilespmem:$0x1FE80] =	vst v63  }
0xc9: {  	s17 =	smov.u32 s19;
	_ =	swait.ge [sflag:s0], $0x4000  }
0xca: {  	p3 =	seq.s32 s17, $0x0;
	[sflag:s0] =	ssyncset.done $0x0  }
0xcb: {  	s15 =	simm.s32 @!p3 $0x3;
	[sflag:s0] =	ssyncadd.s32 $0xFFFFC000  }
0xcc: {  	[spmem:s3] =	stream.indirect.scatter.add.f32 [tilespmem:s6], [sflag:$0x3], $0x80, s13, s29, $0xb8;
	[tilespmem:$0x1FE80] =	vst v63  }
0xcd: {  	_ =	swait.ge @!p3 [sflag:s15], $0x4000  }
0xce: {  	[sflag:s15] =	ssyncset.done @!p3 $0x0  }
0xcf: {  	s18 =	sadd.s32 s17, s22;
	[sflag:s15] =	ssyncadd.s32 @!p3 $0xFFFFC000  }
0xd0: {  	[tilespmem:s31], [sflag:$0x1] =	stream.linear.gather [hbm4b:s18+s4], $0x100, $0x38;
	[tilespmem:$0x1FE80] =	vst v63  }
0xd1: {  	_ =	swait.ge [sflag:s28], $0x100  }
0xd2: {  	[sflag:s28] =	ssyncset.done $0x0  }
0xd3: {  	[sflag:s28] =	ssyncadd.s32 $0xFFFFFF00  }
0xd4: {  	[tilespmem:s2], [sflag:$0x2] =	stream.indirect.gather [hbm4b:s1+s29], $0x80, s23, s29, $0xb8;
	[tilespmem:$0x1FE80] =	vst v63  }
0xd5: {  	_ =	swait.ge [sflag:s0], $0x4000  }
0xd6: {  	[sflag:s0] =	ssyncset.done $0x0  }
0xd7: {  	[sflag:s0] =	ssyncadd.s32 $0xFFFFC000  }
0xd8: {  	[spmem:s3] =	stream.indirect.scatter.add.f32 [tilespmem:s30], [sflag:$0x3], $0x80, s29, s29, $0xb8;
	[tilespmem:$0x1FE80] =	vst v63  }
0xd9: {  	_ =	swait.ge @!p3 [sflag:s15], $0x4000  }
0xda: {  	[sflag:s15] =	ssyncset.done @!p3 $0x0  }
0xdb: {  	s18 =	sadd.s32 s17, s21;
	[sflag:s15] =	ssyncadd.s32 @!p3 $0xFFFFC000  }
0xdc: {  	[tilespmem:s5], [sflag:$0x1] =	stream.linear.gather [hbm4b:s18+s4], $0x100, $0x38;
	[tilespmem:$0x1FE80] =	vst v63  }
0xdd: {  	_ =	swait.ge [sflag:s28], $0x100  }
0xde: {  	[sflag:s28] =	ssyncset.done $0x0  }
0xdf: {  	[sflag:s28] =	ssyncadd.s32 $0xFFFFFF00  }
0xe0: {  	[tilespmem:s6], [sflag:$0x2] =	stream.indirect.gather [hbm4b:s1+s29], $0x80, s24, s29, $0xb8;
	[tilespmem:$0x1FE80] =	vst v63  }
0xe1: {  	_ =	swait.ge [sflag:s0], $0x4000  }
0xe2: {  	[sflag:s0] =	ssyncset.done $0x0  }
0xe3: {  	[sflag:s0] =	ssyncadd.s32 $0xFFFFC000  }
0xe4: {  	[spmem:s3] =	stream.indirect.scatter.add.f32 [tilespmem:s2], [sflag:$0x3], $0x80, s7, s29, $0xb8;
	[tilespmem:$0x1FE80] =	vst v63  }
0xe5: {  	_ =	swait.ge [sflag:s8], $0x4000  }
0xe6: {  	[sflag:s8] =	ssyncset.done $0x0  }
0xe7: {  	s19 =	sadd.s32 s17, s20;
	[sflag:s8] =	ssyncadd.s32 $0xFFFFC000  }
0xe8: {  	[tilespmem:s4], [sflag:$0x1] =	stream.linear.gather [hbm4b:s19+s4], $0x100, $0x38;
	[tilespmem:$0x1FE80] =	vst v63  }
0xe9: {  	_ =	swait.ge [sflag:s28], $0x100  }
0xea: {  	[sflag:s28] =	ssyncset.done $0x0  }
0xeb: {  	[sflag:s28] =	ssyncadd.s32 $0xFFFFFF00  }
0xec: {  	[tilespmem:s30], [sflag:$0x2] =	stream.indirect.gather [hbm4b:s1+s29], $0x80, s25, s29, $0xb8;
	[tilespmem:$0x1FE80] =	vst v63  }
0xed: {  	_ =	swait.ge [sflag:s0], $0x4000  }
0xee: {  	[sflag:s0] =	ssyncset.done $0x0  }
0xef: {  	[sflag:s0] =	ssyncadd.s32 $0xFFFFC000  }
0xf0: {  	[spmem:s3] =	stream.indirect.scatter.add.f32 [tilespmem:s6], [sflag:$0x3], $0x80, s9, s29, $0xb8;
	[tilespmem:$0x1FE80] =	vst v63  }
0xf1: {  	_ =	swait.ge [sflag:s8], $0x4000  }
0xf2: {  	s26 =	rddreg [dreg:$0x7];
	[sflag:s8] =	ssyncset.done $0x0  }
0xf3: {  	[sflag:s8] =	ssyncadd.s32 $0xFFFFC000;
	s15 =	sadd.s32 s17, s26  }
0xf4: {  	[tilespmem:s23], [sflag:$0x1] =	stream.linear.gather [hbm4b:s15+s4], $0x100, $0x38;
	[tilespmem:$0x1FE80] =	vst v63  }
0xf5: {  	_ =	swait.ge [sflag:s28], $0x100  }
0xf6: {  	[sflag:s28] =	ssyncset.done $0x0  }
0xf7: {  	[sflag:s28] =	ssyncadd.s32 $0xFFFFFF00  }
0xf8: {  	[tilespmem:s2], [sflag:$0x2] =	stream.indirect.gather [hbm4b:s1+s29], $0x80, s31, s29, $0xb8;
	[tilespmem:$0x1FE80] =	vst v63  }
0xf9: {  	_ =	swait.ge [sflag:s0], $0x4000  }
0xfa: {  	[sflag:s0] =	ssyncset.done $0x0  }
0xfb: {  	[sflag:s0] =	ssyncadd.s32 $0xFFFFC000  }
0xfc: {  	[spmem:s3] =	stream.indirect.scatter.add.f32 [tilespmem:s30], [sflag:$0x3], $0x80, s10, s29, $0xb8;
	[tilespmem:$0x1FE80] =	vst v63  }
0xfd: {  	_ =	swait.ge [sflag:s8], $0x4000  }
0xfe: {  	s18 =	rddreg [dreg:$0x6];
	[sflag:s8] =	ssyncset.done $0x0  }
0xff: {  	[sflag:s8] =	ssyncadd.s32 $0xFFFFC000;
	s15 =	sadd.s32 s17, s18  }
0x100: {  	[tilespmem:s24], [sflag:$0x1] =	stream.linear.gather [hbm4b:s15+s4], $0x100, $0x38;
	[tilespmem:$0x1FE80] =	vst v63  }
0x101: {  	_ =	swait.ge [sflag:s28], $0x100  }
0x102: {  	[sflag:s28] =	ssyncset.done $0x0  }
0x103: {  	[sflag:s28] =	ssyncadd.s32 $0xFFFFFF00  }
0x104: {  	[tilespmem:s6], [sflag:$0x2] =	stream.indirect.gather [hbm4b:s1+s29], $0x80, s5, s29, $0xb8;
	[tilespmem:$0x1FE80] =	vst v63  }
0x105: {  	_ =	swait.ge [sflag:s0], $0x4000  }
0x106: {  	[sflag:s0] =	ssyncset.done $0x0  }
0x107: {  	[sflag:s0] =	ssyncadd.s32 $0xFFFFC000  }
0x108: {  	[spmem:s3] =	stream.indirect.scatter.add.f32 [tilespmem:s2], [sflag:$0x3], $0x80, s12, s29, $0xb8;
	[tilespmem:$0x1FE80] =	vst v63  }
0x109: {  	_ =	swait.ge [sflag:s8], $0x4000  }
0x10a: {  	s19 =	rddreg [dreg:$0x5];
	[sflag:s8] =	ssyncset.done $0x0  }
0x10b: {  	[sflag:s8] =	ssyncadd.s32 $0xFFFFC000;
	s15 =	sadd.s32 s17, s19  }
0x10c: {  	[tilespmem:s25], [sflag:$0x1] =	stream.linear.gather [hbm4b:s15+s4], $0x100, $0x38;
	[tilespmem:$0x1FE80] =	vst v63  }
0x10d: {  	_ =	swait.ge [sflag:s28], $0x100  }
0x10e: {  	[sflag:s28] =	ssyncset.done $0x0  }
0x10f: {  	[sflag:s28] =	ssyncadd.s32 $0xFFFFFF00  }
0x110: {  	[tilespmem:s30], [sflag:$0x2] =	stream.indirect.gather [hbm4b:s1+s29], $0x80, s4, s29, $0xb8;
	[tilespmem:$0x1FE80] =	vst v63  }
0x111: {  	_ =	swait.ge [sflag:s0], $0x4000  }
0x112: {  	[sflag:s0] =	ssyncset.done $0x0  }
0x113: {  	[sflag:s0] =	ssyncadd.s32 $0xFFFFC000  }
0x114: {  	[spmem:s3] =	stream.indirect.scatter.add.f32 [tilespmem:s6], [sflag:$0x3], $0x80, s13, s29, $0xb8;
	[tilespmem:$0x1FE80] =	vst v63  }
0x115: {  	_ =	swait.ge [sflag:s8], $0x4000  }
0x116: {  	[sflag:s8] =	ssyncset.done $0x0  }
0x117: {  	s26 =	rddreg [dreg:$0x10];
	[sflag:s8] =	ssyncadd.s32 $0xFFFFC000  }
0x118: {  	[tilespmem:s31], [sflag:$0x1] =	stream.linear.gather [hbm4b:s26+s4], $0x100, $0x38;
	[tilespmem:$0x1FE80] =	vst v63  }
0x119: {  	_ =	swait.ge [sflag:s28], $0x100  }
0x11a: {  	[sflag:s28] =	ssyncset.done $0x0  }
0x11b: {  	[sflag:s28] =	ssyncadd.s32 $0xFFFFFF00  }
0x11c: {  	[tilespmem:s2], [sflag:$0x2] =	stream.indirect.gather [hbm4b:s1+s29], $0x80, s23, s29, $0xb8;
	[tilespmem:$0x1FE80] =	vst v63  }
0x11d: {  	_ =	swait.ge [sflag:s0], $0x4000  }
0x11e: {  	[sflag:s0] =	ssyncset.done $0x0  }
0x11f: {  	[sflag:s0] =	ssyncadd.s32 $0xFFFFC000  }
0x120: {  	[spmem:s3] =	stream.indirect.scatter.add.f32 [tilespmem:s30], [sflag:$0x3], $0x80, s29, s29, $0xb8;
	[tilespmem:$0x1FE80] =	vst v63  }
0x121: {  	_ =	swait.ge [sflag:s8], $0x4000  }
0x122: {  	[sflag:s8] =	ssyncset.done $0x0  }
0x123: {  	s17 =	rddreg [dreg:$0x11];
	[sflag:s8] =	ssyncadd.s32 $0xFFFFC000  }
0x124: {  	[tilespmem:s5], [sflag:$0x1] =	stream.linear.gather [hbm4b:s17+s4], $0x100, $0x38;
	[tilespmem:$0x1FE80] =	vst v63  }
0x125: {  	_ =	swait.ge [sflag:s28], $0x100  }
0x126: {  	[sflag:s28] =	ssyncset.done $0x0  }
0x127: {  	[sflag:s28] =	ssyncadd.s32 $0xFFFFFF00  }
0x128: {  	[tilespmem:s6], [sflag:$0x2] =	stream.indirect.gather [hbm4b:s1+s29], $0x80, s24, s29, $0xb8;
	[tilespmem:$0x1FE80] =	vst v63  }
0x129: {  	_ =	swait.ge [sflag:s0], $0x4000  }
0x12a: {  	[sflag:s0] =	ssyncset.done $0x0  }
0x12b: {  	[sflag:s0] =	ssyncadd.s32 $0xFFFFC000  }
0x12c: {  	[spmem:s3] =	stream.indirect.scatter.add.f32 [tilespmem:s2], [sflag:$0x3], $0x80, s7, s29, $0xb8;
	[tilespmem:$0x1FE80] =	vst v63  }
0x12d: {  	_ =	swait.ge [sflag:s8], $0x4000  }
0x12e: {  	[sflag:s8] =	ssyncset.done $0x0  }
0x12f: {  	[sflag:s8] =	ssyncadd.s32 $0xFFFFC000  }
0x130: {  	_ =	swait.ge [sflag:s28], $0x100  }
0x131: {  	[sflag:s28] =	ssyncset.done $0x0  }
0x132: {  	[sflag:s28] =	ssyncadd.s32 $0xFFFFFF00  }
0x133: {  	[tilespmem:s30], [sflag:$0x2] =	stream.indirect.gather [hbm4b:s1+s29], $0x80, s25, s29, $0xb8;
	[tilespmem:$0x1FE80] =	vst v63  }
0x134: {  	_ =	swait.ge [sflag:s0], $0x4000  }
0x135: {  	[sflag:s0] =	ssyncset.done $0x0  }
0x136: {  	[sflag:s0] =	ssyncadd.s32 $0xFFFFC000  }
0x137: {  	[spmem:s3] =	stream.indirect.scatter.add.f32 [tilespmem:s6], [sflag:$0x3], $0x80, s9, s29, $0xb8;
	[tilespmem:$0x1FE80] =	vst v63  }
0x138: {  	_ =	swait.ge [sflag:s8], $0x4000  }
0x139: {  	[sflag:s8] =	ssyncset.done $0x0  }
0x13a: {  	[sflag:s8] =	ssyncadd.s32 $0xFFFFC000  }
0x13b: {  	_ =	swait.ge [sflag:s28], $0x100  }
0x13c: {  	[sflag:s28] =	ssyncset.done $0x0  }
0x13d: {  	[sflag:s28] =	ssyncadd.s32 $0xFFFFFF00  }
0x13e: {  	[tilespmem:s2], [sflag:$0x2] =	stream.indirect.gather [hbm4b:s1+s29], $0x80, s31, s29, $0xb8;
	[tilespmem:$0x1FE80] =	vst v63  }
0x13f: {  	_ =	swait.ge [sflag:s0], $0x4000  }
0x140: {  	[sflag:s0] =	ssyncset.done $0x0  }
0x141: {  	[sflag:s0] =	ssyncadd.s32 $0xFFFFC000  }
0x142: {  	[spmem:s3] =	stream.indirect.scatter.add.f32 [tilespmem:s30], [sflag:$0x3], $0x80, s10, s29, $0xb8;
	[tilespmem:$0x1FE80] =	vst v63  }
0x143: {  	_ =	swait.ge [sflag:s8], $0x4000  }
0x144: {  	[sflag:s8] =	ssyncset.done $0x0  }
0x145: {  	[sflag:s8] =	ssyncadd.s32 $0xFFFFC000  }
0x146: {  	_ =	swait.ge [sflag:s28], $0x100  }
0x147: {  	[sflag:s28] =	ssyncset.done $0x0  }
0x148: {  	[sflag:s28] =	ssyncadd.s32 $0xFFFFFF00  }
0x149: {  	[tilespmem:s6], [sflag:$0x2] =	stream.indirect.gather [hbm4b:s1+s29], $0x80, s5, s29, $0xb8;
	[tilespmem:$0x1FE80] =	vst v63  }
0x14a: {  	_ =	swait.ge [sflag:s0], $0x4000  }
0x14b: {  	[sflag:s0] =	ssyncset.done $0x0  }
0x14c: {  	[sflag:s0] =	ssyncadd.s32 $0xFFFFC000  }
0x14d: {  	[spmem:s3] =	stream.indirect.scatter.add.f32 [tilespmem:s2], [sflag:$0x3], $0x80, s12, s29, $0xb8;
	[tilespmem:$0x1FE80] =	vst v63  }
0x14e: {  	_ =	swait.ge [sflag:s8], $0x4000  }
0x14f: {  	[sflag:s8] =	ssyncset.done $0x0  }
0x150: {  	[sflag:s8] =	ssyncadd.s32 $0xFFFFC000  }
0x151: {  	_ =	swait.ge [sflag:s0], $0x4000  }
0x152: {  	[sflag:s0] =	ssyncset.done $0x0  }
0x153: {  	[sflag:s0] =	ssyncadd.s32 $0xFFFFC000  }
0x154: {  	[spmem:s3] =	stream.indirect.scatter.add.f32 [tilespmem:s6], [sflag:$0x3], $0x80, s13, s29, $0xb8;
	[tilespmem:$0x1FE80] =	vst v63  }
0x155: {  	_ =	swait.ge [sflag:s8], $0x4000  }
0x156: {  	[sflag:s8] =	ssyncset.done $0x0  }
0x157: {  	[sflag:s8] =	ssyncadd.s32 $0xFFFFC000  }
0x158: {  	_ =	swait.ge [sflag:s8], $0x4000  }
0x159: {  	[sflag:s8] =	ssyncset.done $0x0  }
0x15a: {  	s15 =	simm.s32 @!p1 $0x0;
	s17 =	rddreg [dreg:$0x12];
	[sflag:s8] =	ssyncadd.s32 $0xFFFFC000  }
0x15b: {  	[tilespmem:s15], [sflag:$0x4] =	stream.linear.gather @!p1 [hbm4b:s17+s15], $0x100, $0x38;
	[tilespmem:$0x1FE80] =	vst v63  }
0x15c: {  	s17 =	simm.s32 @!p1 $0x4  }
0x15d: {  	_ =	swait.ge @!p1 [sflag:s17], $0x100  }
0x15e: {  	[sflag:s17] =	ssyncset.done @!p1 $0x0  }
0x15f: {  	s18 =	simm.s32 @!p1 $0x600;
	[sflag:s17] =	ssyncadd.s32 @!p1 $0xFFFFFF00;
	s17 =	simm.s32 @!p1 $0x80  }
0x160: {  	[tilespmem:s18], [sflag:$0x2] =	stream.indirect.gather @!p1 [hbm4b:s1+s17], $0x80, s15, s17, $0xb8;
	[tilespmem:$0x1FE80] =	vst v63  }
0x161: {  	s15 =	simm.s32 @!p1 $0x2  }
0x162: {  	_ =	swait.ge @!p1 [sflag:s15], $0x4000  }
0x163: {  	[sflag:s15] =	ssyncset.done @!p1 $0x0  }
0x164: {  	[sflag:s15] =	ssyncadd.s32 @!p1 $0xFFFFC000;
	s15 =	simm.s32 @!p1 $0x3  }
0x165: {  	[spmem:s3] =	stream.indirect.scatter.add.f32 @!p1 [tilespmem:s18], [sflag:$0x3], $0x80, s17, s17, $0xb8;
	[tilespmem:$0x1FE80] =	vst v63  }
0x166: {  	_ =	swait.ge @!p1 [sflag:s15], $0x4000  }
0x167: {  	[sflag:s15] =	ssyncset.done @!p1 $0x0  }
0x168: {  	[sflag:s15] =	ssyncadd.s32 @!p1 $0xFFFFC000  }
0x169: {  	[bflag:$0x0] =	sbarrier.arrive $0xFFFF  }
0x16a: {  	s18 =	rddreg [dreg:$0x13]  }
0x16b: {  	s17 =	simm.s32 $0x4;
	s19 =	rddreg [dreg:$0x16]  }
0x16c: {  	[hbm:s18], [sflag:s11] =	dma.local [spmem:s19], $0x2700  }
0x16d: {  	_ =	swait.ge [sflag:s17], $0x2700  }
0x16e: {  	[sflag:s17] =	ssyncset.done $0x0  }
0x16f: {  	s15 =	rddreg [dreg:$0x14];
	[sflag:s17] =	ssyncadd.s32 $0xFFFFD900  }
0x170: {  	[hbm:s15], [sflag:s11] =	dma.local @!p0 [spmem:s16], $0x100  }
0x171: {  	s15 =	simm.s32 @!p0 $0x4  }
0x172: {  	_ =	swait.ge @!p0 [sflag:s15], $0x100  }
0x173: {  	s14 =	sadd.s32 $0x1, s14;
	s26 =	rddreg [dreg:$0x15]  }
0x174: {  	p2 =	sne.s32 s14, s26  }
.Ltmp1:
0x175: {  	_ = 	snop;
	(pc) =	sbr.rel @p2 .LBB2_1-.Ltmp1, $3  }
0x176: {  	_ =	sdelay $0x1  }
0x177: {  	[sflag:s15] =	ssyncset.done @!p0 $0x0  }
0x178: {  	[sflag:s15] =	ssyncadd.s32 @!p0 $0xFFFFFF00  }
0x179: {  	_ =	sfence.sel $0x180000  }
0x17a: {  	[bflag:$0x0] =	sbarrier.arrive $0xFFFF  }
0x17b: {  	_ =	strace $0x90000047  }
0x17c: {  	s0 =	stileid.u32;
	[bflag:$0x2] =	sbarrier.arrive $0xFFFF  }
0x17d: {  	p0 =	sne.s32 s0, $0x0;
	s0 =	rddreg [dreg:$0x4]  }
0x17e: {  	s0 =	sadd.s32 @!p0 $0x100000, s0  }
0x17f: {  	[sflag:s0] =	ssyncadd.tile.s32 @!p0 $0x1;
	_ =	shalt  }
.Lfunc_end2:
_tile_overlayer_lowered:
.L_overlay_start_2:
0x180: {  	(tag) =	ssettag $0x2  }
0x181: {  	s0 =	rddreg [dreg:$0x0];
	s2 =	stileid.u32  }
0x182: {  	s1 =	rddreg [dreg:$0x1];
	p0 =	sne.s32 s2, $0x0  }
0x183: {  	s3 =	rddreg [dreg:$0x2];
	[bflag:$0x3] =	sbarrier.arrive $0xFFFF;
	s2 =	simm.s32 @!p0 $0x1C04  }
0x184: {  	[timem:s3], [sflag:s2] =	dma.local @!p0 [hbm:s0], s1  }
0x185: {  	s0 =	simm.s32 @!p0 $0x4  }
0x186: {  	_ =	swait.ge @!p0 [sflag:s0], s1  }
0x187: {  	s1 =	ssub.s32 @!p0 $0x0, s1;
	[sflag:s0] =	ssyncset.done @!p0 $0x0  }
0x188: {  	[sflag:s0] =	ssyncadd.s32 @!p0 s1  }
0x189: {  	[bflag:$0x3] =	sbarrier.arrive $0xFFFF  }
0x18a: {  	_ =	shalt  }

</sc_bundles>
